<compile_context>
chip_gen: v7x
topology: tpu7x:2x2x1
jax: 0.10.2.dev20260603
libtpu: 0.0.44.dev20260713+nightly
codegen_flags: <defaults>
</compile_context>

<pallas_src>
import functools
import jax
import jax.numpy as jnp
from jax import lax
from jax.experimental import pallas as pl
from jax.experimental.pallas import tpu as pltpu
from jax.experimental.pallas import tpu_sc as plsc

_NC = 2
_NS = 16
_NW = _NC * _NS
_ROWS_OUT = 64
_ROWS_PER_W = _ROWS_OUT // _NW
_D = 32768


@functools.partial(
    pl.kernel,
    mesh=plsc.VectorSubcoreMesh(core_axis_name="c", subcore_axis_name="s"),
    out_type=jax.ShapeDtypeStruct((_ROWS_OUT, _D), jnp.float32),
    scratch_types=[
        pltpu.VMEM((8, _D // 4), jnp.float32),
        pltpu.SemaphoreType.DMA,
        pltpu.SemaphoreType.DMA,
        pltpu.SemaphoreType.DMA,
        pltpu.SemaphoreType.DMA,
        pltpu.SemaphoreType.DMA,
        pltpu.SemaphoreType.DMA,
        pltpu.SemaphoreType.DMA,
        pltpu.SemaphoreType.DMA,
        pltpu.SemaphoreType.DMA,
    ],
)
def _sc_gather(u_hbm, out_hbm, buf, *sems):
    wid = lax.axis_index("s") * _NC + lax.axis_index("c")
    base = wid * _ROWS_PER_W
    q = _D // 4
    chunks = [(base + r, h) for r in range(_ROWS_PER_W) for h in range(4)]
    ins = []
    for k, (row, h) in enumerate(chunks):
        cp = pltpu.make_async_copy(
            u_hbm.at[4 * row, pl.ds(h * q, q)], buf.at[k], sems[k])
        cp.start()
        ins.append(cp)
    outs = []
    for k, (row, h) in enumerate(chunks):
        ins[k].wait()
        cp = pltpu.make_async_copy(
            buf.at[k], out_hbm.at[row, pl.ds(h * q, q)], sems[8])
        cp.start()
        outs.append(cp)
    for cp in outs:
        cp.wait()


def kernel(u):
    return _sc_gather(u)

# --- scband reference (transcript-rebuilt; emitter-appended) ---
"""Pipeline reference for scband-quantity-of-interest-56264071578308 (READ-ONLY COPY).

The authoritative reference and input builder live on the scoring server;
editing this copy changes nothing except your own understanding.
"""

import jax, jax.numpy as jnp
import numpy as np

# Constants replicating __init__(sample_points, x_grid)
SAMPLE_POINTS = np.arange(0, 256, 4, dtype=np.float64)  # 64 sample locations
X_GRID = np.arange(256, dtype=np.float64)               # 256-point grid
# _compute_indices: nearest grid index for each sample point
INDICES = jnp.asarray(np.abs(X_GRID[None, :] - SAMPLE_POINTS[:, None]).argmin(axis=1).astype(np.int32))


def setup_inputs(seed: int = 0) -> dict:
    key = jax.random.key(seed)
    u = jax.random.normal(key, (256, 32768), dtype=jnp.float32)
    return {"u": u}


def reference(u):
    # forward: u[self.indices] -> row gather
    return jnp.take(u, INDICES, axis=0)

if __name__ == "__main__":
    import jax
    _d = setup_inputs()
    print(jax.jit(kernel)(*tuple(_d.values())))

</pallas_src>

<mosaic_0001>
#map = affine_map<(d0, d1) -> (0, 0)>
module attributes {stable_mosaic.version = 14 : i64} {
  func.func @_sc_gather(%arg0: i32, %arg1: i32, %arg2: memref<256x32768xf32, #tpu.memory_space<hbm>>, %arg3: memref<64x32768xf32, #tpu.memory_space<hbm>>, %arg4: memref<8x8192xf32, #tpu.memory_space<vmem>>, %arg5: memref<!tpu.dma_semaphore, #tpu.memory_space<semaphore_mem>>, %arg6: memref<!tpu.dma_semaphore, #tpu.memory_space<semaphore_mem>>, %arg7: memref<!tpu.dma_semaphore, #tpu.memory_space<semaphore_mem>>, %arg8: memref<!tpu.dma_semaphore, #tpu.memory_space<semaphore_mem>>, %arg9: memref<!tpu.dma_semaphore, #tpu.memory_space<semaphore_mem>>, %arg10: memref<!tpu.dma_semaphore, #tpu.memory_space<semaphore_mem>>, %arg11: memref<!tpu.dma_semaphore, #tpu.memory_space<semaphore_mem>>, %arg12: memref<!tpu.dma_semaphore, #tpu.memory_space<semaphore_mem>>, %arg13: memref<!tpu.dma_semaphore, #tpu.memory_space<semaphore_mem>>) attributes {dimension_semantics = [#tpu.dimension_semantics<core_parallel>, #tpu.dimension_semantics<subcore_parallel>], iteration_bounds = array<i64: 2, 16>, scalar_prefetch = 0 : i64, scratch_operands = 10 : i64, tpu.core_type = #tpu.core_type<sc_vector_subcore>, window_params = [{transform_indices = #map}, {transform_indices = #map}]} {
    %mul3A = arith.constant 2 : i32
    %mul3A_0 = arith.muli %arg1, %mul3A : i32
    %add3A = arith.addi %mul3A_0, %arg0 : i32
    %mul3A_1 = arith.constant 2 : i32
    %mul3A_2 = arith.muli %add3A, %mul3A_1 : i32
    %add3A_3 = arith.constant 0 : i32
    %add3A_4 = arith.addi %mul3A_2, %add3A_3 : i32
    %add3A_5 = arith.constant 0 : i32
    %add3A_6 = arith.addi %mul3A_2, %add3A_5 : i32
    %add3A_7 = arith.constant 0 : i32
    %add3A_8 = arith.addi %mul3A_2, %add3A_7 : i32
    %add3A_9 = arith.constant 0 : i32
    %add3A_10 = arith.addi %mul3A_2, %add3A_9 : i32
    %add3A_11 = arith.constant 1 : i32
    %add3A_12 = arith.addi %mul3A_2, %add3A_11 : i32
    %add3A_13 = arith.constant 1 : i32
    %add3A_14 = arith.addi %mul3A_2, %add3A_13 : i32
    %add3A_15 = arith.constant 1 : i32
    %add3A_16 = arith.addi %mul3A_2, %add3A_15 : i32
    %add3A_17 = arith.constant 1 : i32
    %add3A_18 = arith.addi %mul3A_2, %add3A_17 : i32
    %mul3A_19 = arith.constant 4 : i32
    %mul3A_20 = arith.muli %mul3A_19, %add3A_4 : i32
    %dma_start3A = arith.constant 0 : i32
    %dma_start3A_21 = arith.constant 0 : i32
    %dma_start3A_22 = tpu.memref_slice %arg4[%dma_start3A, %dma_start3A_21] : memref<8x8192xf32, #tpu.memory_space<vmem>> -> memref<1x8192xf32, #tpu.memory_space<vmem>>
    %dma_start3A_23 = tpu.memref_squeeze %dma_start3A_22 : memref<1x8192xf32, #tpu.memory_space<vmem>> -> memref<8192xf32, #tpu.memory_space<vmem>>
    %dma_start3A_24 = arith.constant 0 : i32
    %dma_start3A_25 = tpu.memref_slice %arg2[%mul3A_20, %dma_start3A_24] : memref<256x32768xf32, #tpu.memory_space<hbm>> -> memref<1x8192xf32, #tpu.memory_space<hbm>>
    %dma_start3A_26 = tpu.memref_squeeze %dma_start3A_25 : memref<1x8192xf32, #tpu.memory_space<hbm>> -> memref<8192xf32, #tpu.memory_space<hbm>>
    %dma_start3A_27 = arith.constant 0 : i32
    %dma_start3A_28 = tpu.memref_slice %arg4[%dma_start3A, %dma_start3A_27] : memref<8x8192xf32, #tpu.memory_space<vmem>> -> memref<1x8192xf32, #tpu.memory_space<vmem>>
    %dma_start3A_29 = tpu.memref_squeeze %dma_start3A_28 : memref<1x8192xf32, #tpu.memory_space<vmem>> -> memref<8192xf32, #tpu.memory_space<vmem>>
    %dma_start3A_30 = arith.constant 0 : i32
    %dma_start3A_31 = tpu.memref_slice %arg2[%mul3A_20, %dma_start3A_30] : memref<256x32768xf32, #tpu.memory_space<hbm>> -> memref<1x8192xf32, #tpu.memory_space<hbm>>
    %dma_start3A_32 = tpu.memref_squeeze %dma_start3A_31 : memref<1x8192xf32, #tpu.memory_space<hbm>> -> memref<8192xf32, #tpu.memory_space<hbm>>
    tpu.enqueue_dma source(%dma_start3A_32 : memref<8192xf32, #tpu.memory_space<hbm>>) target(%dma_start3A_29 : memref<8192xf32, #tpu.memory_space<vmem>>) target_semaphore(%arg5 : memref<!tpu.dma_semaphore, #tpu.memory_space<semaphore_mem>>)
    %mul3A_33 = arith.constant 4 : i32
    %mul3A_34 = arith.muli %mul3A_33, %add3A_6 : i32
    %dma_start3A_35 = arith.constant 1 : i32
    %dma_start3A_36 = arith.constant 0 : i32
    %dma_start3A_37 = tpu.memref_slice %arg4[%dma_start3A_35, %dma_start3A_36] : memref<8x8192xf32, #tpu.memory_space<vmem>> -> memref<1x8192xf32, #tpu.memory_space<vmem>>
    %dma_start3A_38 = tpu.memref_squeeze %dma_start3A_37 : memref<1x8192xf32, #tpu.memory_space<vmem>> -> memref<8192xf32, #tpu.memory_space<vmem>>
    %dma_start3A_39 = arith.constant 8192 : i32
    %dma_start3A_40 = tpu.memref_slice %arg2[%mul3A_34, %dma_start3A_39] : memref<256x32768xf32, #tpu.memory_space<hbm>> -> memref<1x8192xf32, #tpu.memory_space<hbm>>
    %dma_start3A_41 = tpu.memref_squeeze %dma_start3A_40 : memref<1x8192xf32, #tpu.memory_space<hbm>> -> memref<8192xf32, #tpu.memory_space<hbm>>
    %dma_start3A_42 = arith.constant 0 : i32
    %dma_start3A_43 = tpu.memref_slice %arg4[%dma_start3A_35, %dma_start3A_42] : memref<8x8192xf32, #tpu.memory_space<vmem>> -> memref<1x8192xf32, #tpu.memory_space<vmem>>
    %dma_start3A_44 = tpu.memref_squeeze %dma_start3A_43 : memref<1x8192xf32, #tpu.memory_space<vmem>> -> memref<8192xf32, #tpu.memory_space<vmem>>
    %dma_start3A_45 = arith.constant 8192 : i32
    %dma_start3A_46 = tpu.memref_slice %arg2[%mul3A_34, %dma_start3A_45] : memref<256x32768xf32, #tpu.memory_space<hbm>> -> memref<1x8192xf32, #tpu.memory_space<hbm>>
    %dma_start3A_47 = tpu.memref_squeeze %dma_start3A_46 : memref<1x8192xf32, #tpu.memory_space<hbm>> -> memref<8192xf32, #tpu.memory_space<hbm>>
    tpu.enqueue_dma source(%dma_start3A_47 : memref<8192xf32, #tpu.memory_space<hbm>>) target(%dma_start3A_44 : memref<8192xf32, #tpu.memory_space<vmem>>) target_semaphore(%arg6 : memref<!tpu.dma_semaphore, #tpu.memory_space<semaphore_mem>>)
    %mul3A_48 = arith.constant 4 : i32
    %mul3A_49 = arith.muli %mul3A_48, %add3A_8 : i32
    %dma_start3A_50 = arith.constant 2 : i32
    %dma_start3A_51 = arith.constant 0 : i32
    %dma_start3A_52 = tpu.memref_slice %arg4[%dma_start3A_50, %dma_start3A_51] : memref<8x8192xf32, #tpu.memory_space<vmem>> -> memref<1x8192xf32, #tpu.memory_space<vmem>>
    %dma_start3A_53 = tpu.memref_squeeze %dma_start3A_52 : memref<1x8192xf32, #tpu.memory_space<vmem>> -> memref<8192xf32, #tpu.memory_space<vmem>>
    %dma_start3A_54 = arith.constant 16384 : i32
    %dma_start3A_55 = tpu.memref_slice %arg2[%mul3A_49, %dma_start3A_54] : memref<256x32768xf32, #tpu.memory_space<hbm>> -> memref<1x8192xf32, #tpu.memory_space<hbm>>
    %dma_start3A_56 = tpu.memref_squeeze %dma_start3A_55 : memref<1x8192xf32, #tpu.memory_space<hbm>> -> memref<8192xf32, #tpu.memory_space<hbm>>
    %dma_start3A_57 = arith.constant 0 : i32
    %dma_start3A_58 = tpu.memref_slice %arg4[%dma_start3A_50, %dma_start3A_57] : memref<8x8192xf32, #tpu.memory_space<vmem>> -> memref<1x8192xf32, #tpu.memory_space<vmem>>
    %dma_start3A_59 = tpu.memref_squeeze %dma_start3A_58 : memref<1x8192xf32, #tpu.memory_space<vmem>> -> memref<8192xf32, #tpu.memory_space<vmem>>
    %dma_start3A_60 = arith.constant 16384 : i32
    %dma_start3A_61 = tpu.memref_slice %arg2[%mul3A_49, %dma_start3A_60] : memref<256x32768xf32, #tpu.memory_space<hbm>> -> memref<1x8192xf32, #tpu.memory_space<hbm>>
    %dma_start3A_62 = tpu.memref_squeeze %dma_start3A_61 : memref<1x8192xf32, #tpu.memory_space<hbm>> -> memref<8192xf32, #tpu.memory_space<hbm>>
    tpu.enqueue_dma source(%dma_start3A_62 : memref<8192xf32, #tpu.memory_space<hbm>>) target(%dma_start3A_59 : memref<8192xf32, #tpu.memory_space<vmem>>) target_semaphore(%arg7 : memref<!tpu.dma_semaphore, #tpu.memory_space<semaphore_mem>>)
    %mul3A_63 = arith.constant 4 : i32
    %mul3A_64 = arith.muli %mul3A_63, %add3A_10 : i32
    %dma_start3A_65 = arith.constant 3 : i32
    %dma_start3A_66 = arith.constant 0 : i32
    %dma_start3A_67 = tpu.memref_slice %arg4[%dma_start3A_65, %dma_start3A_66] : memref<8x8192xf32, #tpu.memory_space<vmem>> -> memref<1x8192xf32, #tpu.memory_space<vmem>>
    %dma_start3A_68 = tpu.memref_squeeze %dma_start3A_67 : memref<1x8192xf32, #tpu.memory_space<vmem>> -> memref<8192xf32, #tpu.memory_space<vmem>>
    %dma_start3A_69 = arith.constant 24576 : i32
    %dma_start3A_70 = tpu.memref_slice %arg2[%mul3A_64, %dma_start3A_69] : memref<256x32768xf32, #tpu.memory_space<hbm>> -> memref<1x8192xf32, #tpu.memory_space<hbm>>
    %dma_start3A_71 = tpu.memref_squeeze %dma_start3A_70 : memref<1x8192xf32, #tpu.memory_space<hbm>> -> memref<8192xf32, #tpu.memory_space<hbm>>
    %dma_start3A_72 = arith.constant 0 : i32
    %dma_start3A_73 = tpu.memref_slice %arg4[%dma_start3A_65, %dma_start3A_72] : memref<8x8192xf32, #tpu.memory_space<vmem>> -> memref<1x8192xf32, #tpu.memory_space<vmem>>
    %dma_start3A_74 = tpu.memref_squeeze %dma_start3A_73 : memref<1x8192xf32, #tpu.memory_space<vmem>> -> memref<8192xf32, #tpu.memory_space<vmem>>
    %dma_start3A_75 = arith.constant 24576 : i32
    %dma_start3A_76 = tpu.memref_slice %arg2[%mul3A_64, %dma_start3A_75] : memref<256x32768xf32, #tpu.memory_space<hbm>> -> memref<1x8192xf32, #tpu.memory_space<hbm>>
    %dma_start3A_77 = tpu.memref_squeeze %dma_start3A_76 : memref<1x8192xf32, #tpu.memory_space<hbm>> -> memref<8192xf32, #tpu.memory_space<hbm>>
    tpu.enqueue_dma source(%dma_start3A_77 : memref<8192xf32, #tpu.memory_space<hbm>>) target(%dma_start3A_74 : memref<8192xf32, #tpu.memory_space<vmem>>) target_semaphore(%arg8 : memref<!tpu.dma_semaphore, #tpu.memory_space<semaphore_mem>>)
    %mul3A_78 = arith.constant 4 : i32
    %mul3A_79 = arith.muli %mul3A_78, %add3A_12 : i32
    %dma_start3A_80 = arith.constant 4 : i32
    %dma_start3A_81 = arith.constant 0 : i32
    %dma_start3A_82 = tpu.memref_slice %arg4[%dma_start3A_80, %dma_start3A_81] : memref<8x8192xf32, #tpu.memory_space<vmem>> -> memref<1x8192xf32, #tpu.memory_space<vmem>>
    %dma_start3A_83 = tpu.memref_squeeze %dma_start3A_82 : memref<1x8192xf32, #tpu.memory_space<vmem>> -> memref<8192xf32, #tpu.memory_space<vmem>>
    %dma_start3A_84 = arith.constant 0 : i32
    %dma_start3A_85 = tpu.memref_slice %arg2[%mul3A_79, %dma_start3A_84] : memref<256x32768xf32, #tpu.memory_space<hbm>> -> memref<1x8192xf32, #tpu.memory_space<hbm>>
    %dma_start3A_86 = tpu.memref_squeeze %dma_start3A_85 : memref<1x8192xf32, #tpu.memory_space<hbm>> -> memref<8192xf32, #tpu.memory_space<hbm>>
    %dma_start3A_87 = arith.constant 0 : i32
    %dma_start3A_88 = tpu.memref_slice %arg4[%dma_start3A_80, %dma_start3A_87] : memref<8x8192xf32, #tpu.memory_space<vmem>> -> memref<1x8192xf32, #tpu.memory_space<vmem>>
    %dma_start3A_89 = tpu.memref_squeeze %dma_start3A_88 : memref<1x8192xf32, #tpu.memory_space<vmem>> -> memref<8192xf32, #tpu.memory_space<vmem>>
    %dma_start3A_90 = arith.constant 0 : i32
    %dma_start3A_91 = tpu.memref_slice %arg2[%mul3A_79, %dma_start3A_90] : memref<256x32768xf32, #tpu.memory_space<hbm>> -> memref<1x8192xf32, #tpu.memory_space<hbm>>
    %dma_start3A_92 = tpu.memref_squeeze %dma_start3A_91 : memref<1x8192xf32, #tpu.memory_space<hbm>> -> memref<8192xf32, #tpu.memory_space<hbm>>
    tpu.enqueue_dma source(%dma_start3A_92 : memref<8192xf32, #tpu.memory_space<hbm>>) target(%dma_start3A_89 : memref<8192xf32, #tpu.memory_space<vmem>>) target_semaphore(%arg9 : memref<!tpu.dma_semaphore, #tpu.memory_space<semaphore_mem>>)
    %mul3A_93 = arith.constant 4 : i32
    %mul3A_94 = arith.muli %mul3A_93, %add3A_14 : i32
    %dma_start3A_95 = arith.constant 5 : i32
    %dma_start3A_96 = arith.constant 0 : i32
    %dma_start3A_97 = tpu.memref_slice %arg4[%dma_start3A_95, %dma_start3A_96] : memref<8x8192xf32, #tpu.memory_space<vmem>> -> memref<1x8192xf32, #tpu.memory_space<vmem>>
    %dma_start3A_98 = tpu.memref_squeeze %dma_start3A_97 : memref<1x8192xf32, #tpu.memory_space<vmem>> -> memref<8192xf32, #tpu.memory_space<vmem>>
    %dma_start3A_99 = arith.constant 8192 : i32
    %dma_start3A_100 = tpu.memref_slice %arg2[%mul3A_94, %dma_start3A_99] : memref<256x32768xf32, #tpu.memory_space<hbm>> -> memref<1x8192xf32, #tpu.memory_space<hbm>>
    %dma_start3A_101 = tpu.memref_squeeze %dma_start3A_100 : memref<1x8192xf32, #tpu.memory_space<hbm>> -> memref<8192xf32, #tpu.memory_space<hbm>>
    %dma_start3A_102 = arith.constant 0 : i32
    %dma_start3A_103 = tpu.memref_slice %arg4[%dma_start3A_95, %dma_start3A_102] : memref<8x8192xf32, #tpu.memory_space<vmem>> -> memref<1x8192xf32, #tpu.memory_space<vmem>>
    %dma_start3A_104 = tpu.memref_squeeze %dma_start3A_103 : memref<1x8192xf32, #tpu.memory_space<vmem>> -> memref<8192xf32, #tpu.memory_space<vmem>>
    %dma_start3A_105 = arith.constant 8192 : i32
    %dma_start3A_106 = tpu.memref_slice %arg2[%mul3A_94, %dma_start3A_105] : memref<256x32768xf32, #tpu.memory_space<hbm>> -> memref<1x8192xf32, #tpu.memory_space<hbm>>
    %dma_start3A_107 = tpu.memref_squeeze %dma_start3A_106 : memref<1x8192xf32, #tpu.memory_space<hbm>> -> memref<8192xf32, #tpu.memory_space<hbm>>
    tpu.enqueue_dma source(%dma_start3A_107 : memref<8192xf32, #tpu.memory_space<hbm>>) target(%dma_start3A_104 : memref<8192xf32, #tpu.memory_space<vmem>>) target_semaphore(%arg10 : memref<!tpu.dma_semaphore, #tpu.memory_space<semaphore_mem>>)
    %mul3A_108 = arith.constant 4 : i32
    %mul3A_109 = arith.muli %mul3A_108, %add3A_16 : i32
    %dma_start3A_110 = arith.constant 6 : i32
    %dma_start3A_111 = arith.constant 0 : i32
    %dma_start3A_112 = tpu.memref_slice %arg4[%dma_start3A_110, %dma_start3A_111] : memref<8x8192xf32, #tpu.memory_space<vmem>> -> memref<1x8192xf32, #tpu.memory_space<vmem>>
    %dma_start3A_113 = tpu.memref_squeeze %dma_start3A_112 : memref<1x8192xf32, #tpu.memory_space<vmem>> -> memref<8192xf32, #tpu.memory_space<vmem>>
    %dma_start3A_114 = arith.constant 16384 : i32
    %dma_start3A_115 = tpu.memref_slice %arg2[%mul3A_109, %dma_start3A_114] : memref<256x32768xf32, #tpu.memory_space<hbm>> -> memref<1x8192xf32, #tpu.memory_space<hbm>>
    %dma_start3A_116 = tpu.memref_squeeze %dma_start3A_115 : memref<1x8192xf32, #tpu.memory_space<hbm>> -> memref<8192xf32, #tpu.memory_space<hbm>>
    %dma_start3A_117 = arith.constant 0 : i32
    %dma_start3A_118 = tpu.memref_slice %arg4[%dma_start3A_110, %dma_start3A_117] : memref<8x8192xf32, #tpu.memory_space<vmem>> -> memref<1x8192xf32, #tpu.memory_space<vmem>>
    %dma_start3A_119 = tpu.memref_squeeze %dma_start3A_118 : memref<1x8192xf32, #tpu.memory_space<vmem>> -> memref<8192xf32, #tpu.memory_space<vmem>>
    %dma_start3A_120 = arith.constant 16384 : i32
    %dma_start3A_121 = tpu.memref_slice %arg2[%mul3A_109, %dma_start3A_120] : memref<256x32768xf32, #tpu.memory_space<hbm>> -> memref<1x8192xf32, #tpu.memory_space<hbm>>
    %dma_start3A_122 = tpu.memref_squeeze %dma_start3A_121 : memref<1x8192xf32, #tpu.memory_space<hbm>> -> memref<8192xf32, #tpu.memory_space<hbm>>
    tpu.enqueue_dma source(%dma_start3A_122 : memref<8192xf32, #tpu.memory_space<hbm>>) target(%dma_start3A_119 : memref<8192xf32, #tpu.memory_space<vmem>>) target_semaphore(%arg11 : memref<!tpu.dma_semaphore, #tpu.memory_space<semaphore_mem>>)
    %mul3A_123 = arith.constant 4 : i32
    %mul3A_124 = arith.muli %mul3A_123, %add3A_18 : i32
    %dma_start3A_125 = arith.constant 7 : i32
    %dma_start3A_126 = arith.constant 0 : i32
    %dma_start3A_127 = tpu.memref_slice %arg4[%dma_start3A_125, %dma_start3A_126] : memref<8x8192xf32, #tpu.memory_space<vmem>> -> memref<1x8192xf32, #tpu.memory_space<vmem>>
    %dma_start3A_128 = tpu.memref_squeeze %dma_start3A_127 : memref<1x8192xf32, #tpu.memory_space<vmem>> -> memref<8192xf32, #tpu.memory_space<vmem>>
    %dma_start3A_129 = arith.constant 24576 : i32
    %dma_start3A_130 = tpu.memref_slice %arg2[%mul3A_124, %dma_start3A_129] : memref<256x32768xf32, #tpu.memory_space<hbm>> -> memref<1x8192xf32, #tpu.memory_space<hbm>>
    %dma_start3A_131 = tpu.memref_squeeze %dma_start3A_130 : memref<1x8192xf32, #tpu.memory_space<hbm>> -> memref<8192xf32, #tpu.memory_space<hbm>>
    %dma_start3A_132 = arith.constant 0 : i32
    %dma_start3A_133 = tpu.memref_slice %arg4[%dma_start3A_125, %dma_start3A_132] : memref<8x8192xf32, #tpu.memory_space<vmem>> -> memref<1x8192xf32, #tpu.memory_space<vmem>>
    %dma_start3A_134 = tpu.memref_squeeze %dma_start3A_133 : memref<1x8192xf32, #tpu.memory_space<vmem>> -> memref<8192xf32, #tpu.memory_space<vmem>>
    %dma_start3A_135 = arith.constant 24576 : i32
    %dma_start3A_136 = tpu.memref_slice %arg2[%mul3A_124, %dma_start3A_135] : memref<256x32768xf32, #tpu.memory_space<hbm>> -> memref<1x8192xf32, #tpu.memory_space<hbm>>
    %dma_start3A_137 = tpu.memref_squeeze %dma_start3A_136 : memref<1x8192xf32, #tpu.memory_space<hbm>> -> memref<8192xf32, #tpu.memory_space<hbm>>
    tpu.enqueue_dma source(%dma_start3A_137 : memref<8192xf32, #tpu.memory_space<hbm>>) target(%dma_start3A_134 : memref<8192xf32, #tpu.memory_space<vmem>>) target_semaphore(%arg12 : memref<!tpu.dma_semaphore, #tpu.memory_space<semaphore_mem>>)
    %dma_wait3A = arith.constant 0 : i32
    %dma_wait3A_138 = arith.constant 0 : i32
    %dma_wait3A_139 = tpu.memref_slice %arg4[%dma_wait3A, %dma_wait3A_138] : memref<8x8192xf32, #tpu.memory_space<vmem>> -> memref<1x8192xf32, #tpu.memory_space<vmem>>
    %dma_wait3A_140 = tpu.memref_squeeze %dma_wait3A_139 : memref<1x8192xf32, #tpu.memory_space<vmem>> -> memref<8192xf32, #tpu.memory_space<vmem>>
    %dma_wait3A_141 = arith.constant 0 : i32
    %dma_wait3A_142 = tpu.memref_slice %arg2[%mul3A_20, %dma_wait3A_141] : memref<256x32768xf32, #tpu.memory_space<hbm>> -> memref<1x8192xf32, #tpu.memory_space<hbm>>
    %dma_wait3A_143 = tpu.memref_squeeze %dma_wait3A_142 : memref<1x8192xf32, #tpu.memory_space<hbm>> -> memref<8192xf32, #tpu.memory_space<hbm>>
    %dma_wait3A_144 = arith.constant 0 : i32
    %dma_wait3A_145 = tpu.memref_slice %arg4[%dma_wait3A, %dma_wait3A_144] : memref<8x8192xf32, #tpu.memory_space<vmem>> -> memref<1x8192xf32, #tpu.memory_space<vmem>>
    %dma_wait3A_146 = tpu.memref_squeeze %dma_wait3A_145 : memref<1x8192xf32, #tpu.memory_space<vmem>> -> memref<8192xf32, #tpu.memory_space<vmem>>
    %dma_wait3A_147 = arith.constant 0 : i32
    %dma_wait3A_148 = tpu.memref_slice %arg2[%mul3A_20, %dma_wait3A_147] : memref<256x32768xf32, #tpu.memory_space<hbm>> -> memref<1x8192xf32, #tpu.memory_space<hbm>>
    %dma_wait3A_149 = tpu.memref_squeeze %dma_wait3A_148 : memref<1x8192xf32, #tpu.memory_space<hbm>> -> memref<8192xf32, #tpu.memory_space<hbm>>
    tpu.wait_dma2 semaphore(%arg5 : memref<!tpu.dma_semaphore, #tpu.memory_space<semaphore_mem>>) src(%dma_wait3A_149 : memref<8192xf32, #tpu.memory_space<hbm>>) dst(%dma_wait3A_146 : memref<8192xf32, #tpu.memory_space<vmem>>)
    %dma_start3A_150 = arith.constant 0 : i32
    %dma_start3A_151 = arith.constant 0 : i32
    %dma_start3A_152 = tpu.memref_slice %arg4[%dma_start3A_150, %dma_start3A_151] : memref<8x8192xf32, #tpu.memory_space<vmem>> -> memref<1x8192xf32, #tpu.memory_space<vmem>>
    %dma_start3A_153 = tpu.memref_squeeze %dma_start3A_152 : memref<1x8192xf32, #tpu.memory_space<vmem>> -> memref<8192xf32, #tpu.memory_space<vmem>>
    %dma_start3A_154 = arith.constant 0 : i32
    %dma_start3A_155 = tpu.memref_slice %arg3[%add3A_4, %dma_start3A_154] : memref<64x32768xf32, #tpu.memory_space<hbm>> -> memref<1x8192xf32, #tpu.memory_space<hbm>>
    %dma_start3A_156 = tpu.memref_squeeze %dma_start3A_155 : memref<1x8192xf32, #tpu.memory_space<hbm>> -> memref<8192xf32, #tpu.memory_space<hbm>>
    %dma_start3A_157 = arith.constant 0 : i32
    %dma_start3A_158 = tpu.memref_slice %arg3[%add3A_4, %dma_start3A_157] : memref<64x32768xf32, #tpu.memory_space<hbm>> -> memref<1x8192xf32, #tpu.memory_space<hbm>>
    %dma_start3A_159 = tpu.memref_squeeze %dma_start3A_158 : memref<1x8192xf32, #tpu.memory_space<hbm>> -> memref<8192xf32, #tpu.memory_space<hbm>>
    %dma_start3A_160 = arith.constant 0 : i32
    %dma_start3A_161 = tpu.memref_slice %arg4[%dma_start3A_150, %dma_start3A_160] : memref<8x8192xf32, #tpu.memory_space<vmem>> -> memref<1x8192xf32, #tpu.memory_space<vmem>>
    %dma_start3A_162 = tpu.memref_squeeze %dma_start3A_161 : memref<1x8192xf32, #tpu.memory_space<vmem>> -> memref<8192xf32, #tpu.memory_space<vmem>>
    tpu.enqueue_dma source(%dma_start3A_162 : memref<8192xf32, #tpu.memory_space<vmem>>) target(%dma_start3A_159 : memref<8192xf32, #tpu.memory_space<hbm>>) target_semaphore(%arg13 : memref<!tpu.dma_semaphore, #tpu.memory_space<semaphore_mem>>)
    %dma_wait3A_163 = arith.constant 1 : i32
    %dma_wait3A_164 = arith.constant 0 : i32
    %dma_wait3A_165 = tpu.memref_slice %arg4[%dma_wait3A_163, %dma_wait3A_164] : memref<8x8192xf32, #tpu.memory_space<vmem>> -> memref<1x8192xf32, #tpu.memory_space<vmem>>
    %dma_wait3A_166 = tpu.memref_squeeze %dma_wait3A_165 : memref<1x8192xf32, #tpu.memory_space<vmem>> -> memref<8192xf32, #tpu.memory_space<vmem>>
    %dma_wait3A_167 = arith.constant 8192 : i32
    %dma_wait3A_168 = tpu.memref_slice %arg2[%mul3A_34, %dma_wait3A_167] : memref<256x32768xf32, #tpu.memory_space<hbm>> -> memref<1x8192xf32, #tpu.memory_space<hbm>>
    %dma_wait3A_169 = tpu.memref_squeeze %dma_wait3A_168 : memref<1x8192xf32, #tpu.memory_space<hbm>> -> memref<8192xf32, #tpu.memory_space<hbm>>
    %dma_wait3A_170 = arith.constant 0 : i32
    %dma_wait3A_171 = tpu.memref_slice %arg4[%dma_wait3A_163, %dma_wait3A_170] : memref<8x8192xf32, #tpu.memory_space<vmem>> -> memref<1x8192xf32, #tpu.memory_space<vmem>>
    %dma_wait3A_172 = tpu.memref_squeeze %dma_wait3A_171 : memref<1x8192xf32, #tpu.memory_space<vmem>> -> memref<8192xf32, #tpu.memory_space<vmem>>
    %dma_wait3A_173 = arith.constant 8192 : i32
    %dma_wait3A_174 = tpu.memref_slice %arg2[%mul3A_34, %dma_wait3A_173] : memref<256x32768xf32, #tpu.memory_space<hbm>> -> memref<1x8192xf32, #tpu.memory_space<hbm>>
    %dma_wait3A_175 = tpu.memref_squeeze %dma_wait3A_174 : memref<1x8192xf32, #tpu.memory_space<hbm>> -> memref<8192xf32, #tpu.memory_space<hbm>>
    tpu.wait_dma2 semaphore(%arg6 : memref<!tpu.dma_semaphore, #tpu.memory_space<semaphore_mem>>) src(%dma_wait3A_175 : memref<8192xf32, #tpu.memory_space<hbm>>) dst(%dma_wait3A_172 : memref<8192xf32, #tpu.memory_space<vmem>>)
    %dma_start3A_176 = arith.constant 1 : i32
    %dma_start3A_177 = arith.constant 0 : i32
    %dma_start3A_178 = tpu.memref_slice %arg4[%dma_start3A_176, %dma_start3A_177] : memref<8x8192xf32, #tpu.memory_space<vmem>> -> memref<1x8192xf32, #tpu.memory_space<vmem>>
    %dma_start3A_179 = tpu.memref_squeeze %dma_start3A_178 : memref<1x8192xf32, #tpu.memory_space<vmem>> -> memref<8192xf32, #tpu.memory_space<vmem>>
    %dma_start3A_180 = arith.constant 8192 : i32
    %dma_start3A_181 = tpu.memref_slice %arg3[%add3A_6, %dma_start3A_180] : memref<64x32768xf32, #tpu.memory_space<hbm>> -> memref<1x8192xf32, #tpu.memory_space<hbm>>
    %dma_start3A_182 = tpu.memref_squeeze %dma_start3A_181 : memref<1x8192xf32, #tpu.memory_space<hbm>> -> memref<8192xf32, #tpu.memory_space<hbm>>
    %dma_start3A_183 = arith.constant 8192 : i32
    %dma_start3A_184 = tpu.memref_slice %arg3[%add3A_6, %dma_start3A_183] : memref<64x32768xf32, #tpu.memory_space<hbm>> -> memref<1x8192xf32, #tpu.memory_space<hbm>>
    %dma_start3A_185 = tpu.memref_squeeze %dma_start3A_184 : memref<1x8192xf32, #tpu.memory_space<hbm>> -> memref<8192xf32, #tpu.memory_space<hbm>>
    %dma_start3A_186 = arith.constant 0 : i32
    %dma_start3A_187 = tpu.memref_slice %arg4[%dma_start3A_176, %dma_start3A_186] : memref<8x8192xf32, #tpu.memory_space<vmem>> -> memref<1x8192xf32, #tpu.memory_space<vmem>>
    %dma_start3A_188 = tpu.memref_squeeze %dma_start3A_187 : memref<1x8192xf32, #tpu.memory_space<vmem>> -> memref<8192xf32, #tpu.memory_space<vmem>>
    tpu.enqueue_dma source(%dma_start3A_188 : memref<8192xf32, #tpu.memory_space<vmem>>) target(%dma_start3A_185 : memref<8192xf32, #tpu.memory_space<hbm>>) target_semaphore(%arg13 : memref<!tpu.dma_semaphore, #tpu.memory_space<semaphore_mem>>)
    %dma_wait3A_189 = arith.constant 2 : i32
    %dma_wait3A_190 = arith.constant 0 : i32
    %dma_wait3A_191 = tpu.memref_slice %arg4[%dma_wait3A_189, %dma_wait3A_190] : memref<8x8192xf32, #tpu.memory_space<vmem>> -> memref<1x8192xf32, #tpu.memory_space<vmem>>
    %dma_wait3A_192 = tpu.memref_squeeze %dma_wait3A_191 : memref<1x8192xf32, #tpu.memory_space<vmem>> -> memref<8192xf32, #tpu.memory_space<vmem>>
    %dma_wait3A_193 = arith.constant 16384 : i32
    %dma_wait3A_194 = tpu.memref_slice %arg2[%mul3A_49, %dma_wait3A_193] : memref<256x32768xf32, #tpu.memory_space<hbm>> -> memref<1x8192xf32, #tpu.memory_space<hbm>>
    %dma_wait3A_195 = tpu.memref_squeeze %dma_wait3A_194 : memref<1x8192xf32, #tpu.memory_space<hbm>> -> memref<8192xf32, #tpu.memory_space<hbm>>
    %dma_wait3A_196 = arith.constant 0 : i32
    %dma_wait3A_197 = tpu.memref_slice %arg4[%dma_wait3A_189, %dma_wait3A_196] : memref<8x8192xf32, #tpu.memory_space<vmem>> -> memref<1x8192xf32, #tpu.memory_space<vmem>>
    %dma_wait3A_198 = tpu.memref_squeeze %dma_wait3A_197 : memref<1x8192xf32, #tpu.memory_space<vmem>> -> memref<8192xf32, #tpu.memory_space<vmem>>
    %dma_wait3A_199 = arith.constant 16384 : i32
    %dma_wait3A_200 = tpu.memref_slice %arg2[%mul3A_49, %dma_wait3A_199] : memref<256x32768xf32, #tpu.memory_space<hbm>> -> memref<1x8192xf32, #tpu.memory_space<hbm>>
    %dma_wait3A_201 = tpu.memref_squeeze %dma_wait3A_200 : memref<1x8192xf32, #tpu.memory_space<hbm>> -> memref<8192xf32, #tpu.memory_space<hbm>>
    tpu.wait_dma2 semaphore(%arg7 : memref<!tpu.dma_semaphore, #tpu.memory_space<semaphore_mem>>) src(%dma_wait3A_201 : memref<8192xf32, #tpu.memory_space<hbm>>) dst(%dma_wait3A_198 : memref<8192xf32, #tpu.memory_space<vmem>>)
    %dma_start3A_202 = arith.constant 2 : i32
    %dma_start3A_203 = arith.constant 0 : i32
    %dma_start3A_204 = tpu.memref_slice %arg4[%dma_start3A_202, %dma_start3A_203] : memref<8x8192xf32, #tpu.memory_space<vmem>> -> memref<1x8192xf32, #tpu.memory_space<vmem>>
    %dma_start3A_205 = tpu.memref_squeeze %dma_start3A_204 : memref<1x8192xf32, #tpu.memory_space<vmem>> -> memref<8192xf32, #tpu.memory_space<vmem>>
    %dma_start3A_206 = arith.constant 16384 : i32
    %dma_start3A_207 = tpu.memref_slice %arg3[%add3A_8, %dma_start3A_206] : memref<64x32768xf32, #tpu.memory_space<hbm>> -> memref<1x8192xf32, #tpu.memory_space<hbm>>
    %dma_start3A_208 = tpu.memref_squeeze %dma_start3A_207 : memref<1x8192xf32, #tpu.memory_space<hbm>> -> memref<8192xf32, #tpu.memory_space<hbm>>
    %dma_start3A_209 = arith.constant 16384 : i32
    %dma_start3A_210 = tpu.memref_slice %arg3[%add3A_8, %dma_start3A_209] : memref<64x32768xf32, #tpu.memory_space<hbm>> -> memref<1x8192xf32, #tpu.memory_space<hbm>>
    %dma_start3A_211 = tpu.memref_squeeze %dma_start3A_210 : memref<1x8192xf32, #tpu.memory_space<hbm>> -> memref<8192xf32, #tpu.memory_space<hbm>>
    %dma_start3A_212 = arith.constant 0 : i32
    %dma_start3A_213 = tpu.memref_slice %arg4[%dma_start3A_202, %dma_start3A_212] : memref<8x8192xf32, #tpu.memory_space<vmem>> -> memref<1x8192xf32, #tpu.memory_space<vmem>>
    %dma_start3A_214 = tpu.memref_squeeze %dma_start3A_213 : memref<1x8192xf32, #tpu.memory_space<vmem>> -> memref<8192xf32, #tpu.memory_space<vmem>>
    tpu.enqueue_dma source(%dma_start3A_214 : memref<8192xf32, #tpu.memory_space<vmem>>) target(%dma_start3A_211 : memref<8192xf32, #tpu.memory_space<hbm>>) target_semaphore(%arg13 : memref<!tpu.dma_semaphore, #tpu.memory_space<semaphore_mem>>)
    %dma_wait3A_215 = arith.constant 3 : i32
    %dma_wait3A_216 = arith.constant 0 : i32
    %dma_wait3A_217 = tpu.memref_slice %arg4[%dma_wait3A_215, %dma_wait3A_216] : memref<8x8192xf32, #tpu.memory_space<vmem>> -> memref<1x8192xf32, #tpu.memory_space<vmem>>
    %dma_wait3A_218 = tpu.memref_squeeze %dma_wait3A_217 : memref<1x8192xf32, #tpu.memory_space<vmem>> -> memref<8192xf32, #tpu.memory_space<vmem>>
    %dma_wait3A_219 = arith.constant 24576 : i32
    %dma_wait3A_220 = tpu.memref_slice %arg2[%mul3A_64, %dma_wait3A_219] : memref<256x32768xf32, #tpu.memory_space<hbm>> -> memref<1x8192xf32, #tpu.memory_space<hbm>>
    %dma_wait3A_221 = tpu.memref_squeeze %dma_wait3A_220 : memref<1x8192xf32, #tpu.memory_space<hbm>> -> memref<8192xf32, #tpu.memory_space<hbm>>
    %dma_wait3A_222 = arith.constant 0 : i32
    %dma_wait3A_223 = tpu.memref_slice %arg4[%dma_wait3A_215, %dma_wait3A_222] : memref<8x8192xf32, #tpu.memory_space<vmem>> -> memref<1x8192xf32, #tpu.memory_space<vmem>>
    %dma_wait3A_224 = tpu.memref_squeeze %dma_wait3A_223 : memref<1x8192xf32, #tpu.memory_space<vmem>> -> memref<8192xf32, #tpu.memory_space<vmem>>
    %dma_wait3A_225 = arith.constant 24576 : i32
    %dma_wait3A_226 = tpu.memref_slice %arg2[%mul3A_64, %dma_wait3A_225] : memref<256x32768xf32, #tpu.memory_space<hbm>> -> memref<1x8192xf32, #tpu.memory_space<hbm>>
    %dma_wait3A_227 = tpu.memref_squeeze %dma_wait3A_226 : memref<1x8192xf32, #tpu.memory_space<hbm>> -> memref<8192xf32, #tpu.memory_space<hbm>>
    tpu.wait_dma2 semaphore(%arg8 : memref<!tpu.dma_semaphore, #tpu.memory_space<semaphore_mem>>) src(%dma_wait3A_227 : memref<8192xf32, #tpu.memory_space<hbm>>) dst(%dma_wait3A_224 : memref<8192xf32, #tpu.memory_space<vmem>>)
    %dma_start3A_228 = arith.constant 3 : i32
    %dma_start3A_229 = arith.constant 0 : i32
    %dma_start3A_230 = tpu.memref_slice %arg4[%dma_start3A_228, %dma_start3A_229] : memref<8x8192xf32, #tpu.memory_space<vmem>> -> memref<1x8192xf32, #tpu.memory_space<vmem>>
    %dma_start3A_231 = tpu.memref_squeeze %dma_start3A_230 : memref<1x8192xf32, #tpu.memory_space<vmem>> -> memref<8192xf32, #tpu.memory_space<vmem>>
    %dma_start3A_232 = arith.constant 24576 : i32
    %dma_start3A_233 = tpu.memref_slice %arg3[%add3A_10, %dma_start3A_232] : memref<64x32768xf32, #tpu.memory_space<hbm>> -> memref<1x8192xf32, #tpu.memory_space<hbm>>
    %dma_start3A_234 = tpu.memref_squeeze %dma_start3A_233 : memref<1x8192xf32, #tpu.memory_space<hbm>> -> memref<8192xf32, #tpu.memory_space<hbm>>
    %dma_start3A_235 = arith.constant 24576 : i32
    %dma_start3A_236 = tpu.memref_slice %arg3[%add3A_10, %dma_start3A_235] : memref<64x32768xf32, #tpu.memory_space<hbm>> -> memref<1x8192xf32, #tpu.memory_space<hbm>>
    %dma_start3A_237 = tpu.memref_squeeze %dma_start3A_236 : memref<1x8192xf32, #tpu.memory_space<hbm>> -> memref<8192xf32, #tpu.memory_space<hbm>>
    %dma_start3A_238 = arith.constant 0 : i32
    %dma_start3A_239 = tpu.memref_slice %arg4[%dma_start3A_228, %dma_start3A_238] : memref<8x8192xf32, #tpu.memory_space<vmem>> -> memref<1x8192xf32, #tpu.memory_space<vmem>>
    %dma_start3A_240 = tpu.memref_squeeze %dma_start3A_239 : memref<1x8192xf32, #tpu.memory_space<vmem>> -> memref<8192xf32, #tpu.memory_space<vmem>>
    tpu.enqueue_dma source(%dma_start3A_240 : memref<8192xf32, #tpu.memory_space<vmem>>) target(%dma_start3A_237 : memref<8192xf32, #tpu.memory_space<hbm>>) target_semaphore(%arg13 : memref<!tpu.dma_semaphore, #tpu.memory_space<semaphore_mem>>)
    %dma_wait3A_241 = arith.constant 4 : i32
    %dma_wait3A_242 = arith.constant 0 : i32
    %dma_wait3A_243 = tpu.memref_slice %arg4[%dma_wait3A_241, %dma_wait3A_242] : memref<8x8192xf32, #tpu.memory_space<vmem>> -> memref<1x8192xf32, #tpu.memory_space<vmem>>
    %dma_wait3A_244 = tpu.memref_squeeze %dma_wait3A_243 : memref<1x8192xf32, #tpu.memory_space<vmem>> -> memref<8192xf32, #tpu.memory_space<vmem>>
    %dma_wait3A_245 = arith.constant 0 : i32
    %dma_wait3A_246 = tpu.memref_slice %arg2[%mul3A_79, %dma_wait3A_245] : memref<256x32768xf32, #tpu.memory_space<hbm>> -> memref<1x8192xf32, #tpu.memory_space<hbm>>
    %dma_wait3A_247 = tpu.memref_squeeze %dma_wait3A_246 : memref<1x8192xf32, #tpu.memory_space<hbm>> -> memref<8192xf32, #tpu.memory_space<hbm>>
    %dma_wait3A_248 = arith.constant 0 : i32
    %dma_wait3A_249 = tpu.memref_slice %arg4[%dma_wait3A_241, %dma_wait3A_248] : memref<8x8192xf32, #tpu.memory_space<vmem>> -> memref<1x8192xf32, #tpu.memory_space<vmem>>
    %dma_wait3A_250 = tpu.memref_squeeze %dma_wait3A_249 : memref<1x8192xf32, #tpu.memory_space<vmem>> -> memref<8192xf32, #tpu.memory_space<vmem>>
    %dma_wait3A_251 = arith.constant 0 : i32
    %dma_wait3A_252 = tpu.memref_slice %arg2[%mul3A_79, %dma_wait3A_251] : memref<256x32768xf32, #tpu.memory_space<hbm>> -> memref<1x8192xf32, #tpu.memory_space<hbm>>
    %dma_wait3A_253 = tpu.memref_squeeze %dma_wait3A_252 : memref<1x8192xf32, #tpu.memory_space<hbm>> -> memref<8192xf32, #tpu.memory_space<hbm>>
    tpu.wait_dma2 semaphore(%arg9 : memref<!tpu.dma_semaphore, #tpu.memory_space<semaphore_mem>>) src(%dma_wait3A_253 : memref<8192xf32, #tpu.memory_space<hbm>>) dst(%dma_wait3A_250 : memref<8192xf32, #tpu.memory_space<vmem>>)
    %dma_start3A_254 = arith.constant 4 : i32
    %dma_start3A_255 = arith.constant 0 : i32
    %dma_start3A_256 = tpu.memref_slice %arg4[%dma_start3A_254, %dma_start3A_255] : memref<8x8192xf32, #tpu.memory_space<vmem>> -> memref<1x8192xf32, #tpu.memory_space<vmem>>
    %dma_start3A_257 = tpu.memref_squeeze %dma_start3A_256 : memref<1x8192xf32, #tpu.memory_space<vmem>> -> memref<8192xf32, #tpu.memory_space<vmem>>
    %dma_start3A_258 = arith.constant 0 : i32
    %dma_start3A_259 = tpu.memref_slice %arg3[%add3A_12, %dma_start3A_258] : memref<64x32768xf32, #tpu.memory_space<hbm>> -> memref<1x8192xf32, #tpu.memory_space<hbm>>
    %dma_start3A_260 = tpu.memref_squeeze %dma_start3A_259 : memref<1x8192xf32, #tpu.memory_space<hbm>> -> memref<8192xf32, #tpu.memory_space<hbm>>
    %dma_start3A_261 = arith.constant 0 : i32
    %dma_start3A_262 = tpu.memref_slice %arg3[%add3A_12, %dma_start3A_261] : memref<64x32768xf32, #tpu.memory_space<hbm>> -> memref<1x8192xf32, #tpu.memory_space<hbm>>
    %dma_start3A_263 = tpu.memref_squeeze %dma_start3A_262 : memref<1x8192xf32, #tpu.memory_space<hbm>> -> memref<8192xf32, #tpu.memory_space<hbm>>
    %dma_start3A_264 = arith.constant 0 : i32
    %dma_start3A_265 = tpu.memref_slice %arg4[%dma_start3A_254, %dma_start3A_264] : memref<8x8192xf32, #tpu.memory_space<vmem>> -> memref<1x8192xf32, #tpu.memory_space<vmem>>
    %dma_start3A_266 = tpu.memref_squeeze %dma_start3A_265 : memref<1x8192xf32, #tpu.memory_space<vmem>> -> memref<8192xf32, #tpu.memory_space<vmem>>
    tpu.enqueue_dma source(%dma_start3A_266 : memref<8192xf32, #tpu.memory_space<vmem>>) target(%dma_start3A_263 : memref<8192xf32, #tpu.memory_space<hbm>>) target_semaphore(%arg13 : memref<!tpu.dma_semaphore, #tpu.memory_space<semaphore_mem>>)
    %dma_wait3A_267 = arith.constant 5 : i32
    %dma_wait3A_268 = arith.constant 0 : i32
    %dma_wait3A_269 = tpu.memref_slice %arg4[%dma_wait3A_267, %dma_wait3A_268] : memref<8x8192xf32, #tpu.memory_space<vmem>> -> memref<1x8192xf32, #tpu.memory_space<vmem>>
    %dma_wait3A_270 = tpu.memref_squeeze %dma_wait3A_269 : memref<1x8192xf32, #tpu.memory_space<vmem>> -> memref<8192xf32, #tpu.memory_space<vmem>>
    %dma_wait3A_271 = arith.constant 8192 : i32
    %dma_wait3A_272 = tpu.memref_slice %arg2[%mul3A_94, %dma_wait3A_271] : memref<256x32768xf32, #tpu.memory_space<hbm>> -> memref<1x8192xf32, #tpu.memory_space<hbm>>
    %dma_wait3A_273 = tpu.memref_squeeze %dma_wait3A_272 : memref<1x8192xf32, #tpu.memory_space<hbm>> -> memref<8192xf32, #tpu.memory_space<hbm>>
    %dma_wait3A_274 = arith.constant 0 : i32
    %dma_wait3A_275 = tpu.memref_slice %arg4[%dma_wait3A_267, %dma_wait3A_274] : memref<8x8192xf32, #tpu.memory_space<vmem>> -> memref<1x8192xf32, #tpu.memory_space<vmem>>
    %dma_wait3A_276 = tpu.memref_squeeze %dma_wait3A_275 : memref<1x8192xf32, #tpu.memory_space<vmem>> -> memref<8192xf32, #tpu.memory_space<vmem>>
    %dma_wait3A_277 = arith.constant 8192 : i32
    %dma_wait3A_278 = tpu.memref_slice %arg2[%mul3A_94, %dma_wait3A_277] : memref<256x32768xf32, #tpu.memory_space<hbm>> -> memref<1x8192xf32, #tpu.memory_space<hbm>>
    %dma_wait3A_279 = tpu.memref_squeeze %dma_wait3A_278 : memref<1x8192xf32, #tpu.memory_space<hbm>> -> memref<8192xf32, #tpu.memory_space<hbm>>
    tpu.wait_dma2 semaphore(%arg10 : memref<!tpu.dma_semaphore, #tpu.memory_space<semaphore_mem>>) src(%dma_wait3A_279 : memref<8192xf32, #tpu.memory_space<hbm>>) dst(%dma_wait3A_276 : memref<8192xf32, #tpu.memory_space<vmem>>)
    %dma_start3A_280 = arith.constant 5 : i32
    %dma_start3A_281 = arith.constant 0 : i32
    %dma_start3A_282 = tpu.memref_slice %arg4[%dma_start3A_280, %dma_start3A_281] : memref<8x8192xf32, #tpu.memory_space<vmem>> -> memref<1x8192xf32, #tpu.memory_space<vmem>>
    %dma_start3A_283 = tpu.memref_squeeze %dma_start3A_282 : memref<1x8192xf32, #tpu.memory_space<vmem>> -> memref<8192xf32, #tpu.memory_space<vmem>>
    %dma_start3A_284 = arith.constant 8192 : i32
    %dma_start3A_285 = tpu.memref_slice %arg3[%add3A_14, %dma_start3A_284] : memref<64x32768xf32, #tpu.memory_space<hbm>> -> memref<1x8192xf32, #tpu.memory_space<hbm>>
    %dma_start3A_286 = tpu.memref_squeeze %dma_start3A_285 : memref<1x8192xf32, #tpu.memory_space<hbm>> -> memref<8192xf32, #tpu.memory_space<hbm>>
    %dma_start3A_287 = arith.constant 8192 : i32
    %dma_start3A_288 = tpu.memref_slice %arg3[%add3A_14, %dma_start3A_287] : memref<64x32768xf32, #tpu.memory_space<hbm>> -> memref<1x8192xf32, #tpu.memory_space<hbm>>
    %dma_start3A_289 = tpu.memref_squeeze %dma_start3A_288 : memref<1x8192xf32, #tpu.memory_space<hbm>> -> memref<8192xf32, #tpu.memory_space<hbm>>
    %dma_start3A_290 = arith.constant 0 : i32
    %dma_start3A_291 = tpu.memref_slice %arg4[%dma_start3A_280, %dma_start3A_290] : memref<8x8192xf32, #tpu.memory_space<vmem>> -> memref<1x8192xf32, #tpu.memory_space<vmem>>
    %dma_start3A_292 = tpu.memref_squeeze %dma_start3A_291 : memref<1x8192xf32, #tpu.memory_space<vmem>> -> memref<8192xf32, #tpu.memory_space<vmem>>
    tpu.enqueue_dma source(%dma_start3A_292 : memref<8192xf32, #tpu.memory_space<vmem>>) target(%dma_start3A_289 : memref<8192xf32, #tpu.memory_space<hbm>>) target_semaphore(%arg13 : memref<!tpu.dma_semaphore, #tpu.memory_space<semaphore_mem>>)
    %dma_wait3A_293 = arith.constant 6 : i32
    %dma_wait3A_294 = arith.constant 0 : i32
    %dma_wait3A_295 = tpu.memref_slice %arg4[%dma_wait3A_293, %dma_wait3A_294] : memref<8x8192xf32, #tpu.memory_space<vmem>> -> memref<1x8192xf32, #tpu.memory_space<vmem>>
    %dma_wait3A_296 = tpu.memref_squeeze %dma_wait3A_295 : memref<1x8192xf32, #tpu.memory_space<vmem>> -> memref<8192xf32, #tpu.memory_space<vmem>>
    %dma_wait3A_297 = arith.constant 16384 : i32
    %dma_wait3A_298 = tpu.memref_slice %arg2[%mul3A_109, %dma_wait3A_297] : memref<256x32768xf32, #tpu.memory_space<hbm>> -> memref<1x8192xf32, #tpu.memory_space<hbm>>
    %dma_wait3A_299 = tpu.memref_squeeze %dma_wait3A_298 : memref<1x8192xf32, #tpu.memory_space<hbm>> -> memref<8192xf32, #tpu.memory_space<hbm>>
    %dma_wait3A_300 = arith.constant 0 : i32
    %dma_wait3A_301 = tpu.memref_slice %arg4[%dma_wait3A_293, %dma_wait3A_300] : memref<8x8192xf32, #tpu.memory_space<vmem>> -> memref<1x8192xf32, #tpu.memory_space<vmem>>
    %dma_wait3A_302 = tpu.memref_squeeze %dma_wait3A_301 : memref<1x8192xf32, #tpu.memory_space<vmem>> -> memref<8192xf32, #tpu.memory_space<vmem>>
    %dma_wait3A_303 = arith.constant 16384 : i32
    %dma_wait3A_304 = tpu.memref_slice %arg2[%mul3A_109, %dma_wait3A_303] : memref<256x32768xf32, #tpu.memory_space<hbm>> -> memref<1x8192xf32, #tpu.memory_space<hbm>>
    %dma_wait3A_305 = tpu.memref_squeeze %dma_wait3A_304 : memref<1x8192xf32, #tpu.memory_space<hbm>> -> memref<8192xf32, #tpu.memory_space<hbm>>
    tpu.wait_dma2 semaphore(%arg11 : memref<!tpu.dma_semaphore, #tpu.memory_space<semaphore_mem>>) src(%dma_wait3A_305 : memref<8192xf32, #tpu.memory_space<hbm>>) dst(%dma_wait3A_302 : memref<8192xf32, #tpu.memory_space<vmem>>)
    %dma_start3A_306 = arith.constant 6 : i32
    %dma_start3A_307 = arith.constant 0 : i32
    %dma_start3A_308 = tpu.memref_slice %arg4[%dma_start3A_306, %dma_start3A_307] : memref<8x8192xf32, #tpu.memory_space<vmem>> -> memref<1x8192xf32, #tpu.memory_space<vmem>>
    %dma_start3A_309 = tpu.memref_squeeze %dma_start3A_308 : memref<1x8192xf32, #tpu.memory_space<vmem>> -> memref<8192xf32, #tpu.memory_space<vmem>>
    %dma_start3A_310 = arith.constant 16384 : i32
    %dma_start3A_311 = tpu.memref_slice %arg3[%add3A_16, %dma_start3A_310] : memref<64x32768xf32, #tpu.memory_space<hbm>> -> memref<1x8192xf32, #tpu.memory_space<hbm>>
    %dma_start3A_312 = tpu.memref_squeeze %dma_start3A_311 : memref<1x8192xf32, #tpu.memory_space<hbm>> -> memref<8192xf32, #tpu.memory_space<hbm>>
    %dma_start3A_313 = arith.constant 16384 : i32
    %dma_start3A_314 = tpu.memref_slice %arg3[%add3A_16, %dma_start3A_313] : memref<64x32768xf32, #tpu.memory_space<hbm>> -> memref<1x8192xf32, #tpu.memory_space<hbm>>
    %dma_start3A_315 = tpu.memref_squeeze %dma_start3A_314 : memref<1x8192xf32, #tpu.memory_space<hbm>> -> memref<8192xf32, #tpu.memory_space<hbm>>
    %dma_start3A_316 = arith.constant 0 : i32
    %dma_start3A_317 = tpu.memref_slice %arg4[%dma_start3A_306, %dma_start3A_316] : memref<8x8192xf32, #tpu.memory_space<vmem>> -> memref<1x8192xf32, #tpu.memory_space<vmem>>
    %dma_start3A_318 = tpu.memref_squeeze %dma_start3A_317 : memref<1x8192xf32, #tpu.memory_space<vmem>> -> memref<8192xf32, #tpu.memory_space<vmem>>
    tpu.enqueue_dma source(%dma_start3A_318 : memref<8192xf32, #tpu.memory_space<vmem>>) target(%dma_start3A_315 : memref<8192xf32, #tpu.memory_space<hbm>>) target_semaphore(%arg13 : memref<!tpu.dma_semaphore, #tpu.memory_space<semaphore_mem>>)
    %dma_wait3A_319 = arith.constant 7 : i32
    %dma_wait3A_320 = arith.constant 0 : i32
    %dma_wait3A_321 = tpu.memref_slice %arg4[%dma_wait3A_319, %dma_wait3A_320] : memref<8x8192xf32, #tpu.memory_space<vmem>> -> memref<1x8192xf32, #tpu.memory_space<vmem>>
    %dma_wait3A_322 = tpu.memref_squeeze %dma_wait3A_321 : memref<1x8192xf32, #tpu.memory_space<vmem>> -> memref<8192xf32, #tpu.memory_space<vmem>>
    %dma_wait3A_323 = arith.constant 24576 : i32
    %dma_wait3A_324 = tpu.memref_slice %arg2[%mul3A_124, %dma_wait3A_323] : memref<256x32768xf32, #tpu.memory_space<hbm>> -> memref<1x8192xf32, #tpu.memory_space<hbm>>
    %dma_wait3A_325 = tpu.memref_squeeze %dma_wait3A_324 : memref<1x8192xf32, #tpu.memory_space<hbm>> -> memref<8192xf32, #tpu.memory_space<hbm>>
    %dma_wait3A_326 = arith.constant 0 : i32
    %dma_wait3A_327 = tpu.memref_slice %arg4[%dma_wait3A_319, %dma_wait3A_326] : memref<8x8192xf32, #tpu.memory_space<vmem>> -> memref<1x8192xf32, #tpu.memory_space<vmem>>
    %dma_wait3A_328 = tpu.memref_squeeze %dma_wait3A_327 : memref<1x8192xf32, #tpu.memory_space<vmem>> -> memref<8192xf32, #tpu.memory_space<vmem>>
    %dma_wait3A_329 = arith.constant 24576 : i32
    %dma_wait3A_330 = tpu.memref_slice %arg2[%mul3A_124, %dma_wait3A_329] : memref<256x32768xf32, #tpu.memory_space<hbm>> -> memref<1x8192xf32, #tpu.memory_space<hbm>>
    %dma_wait3A_331 = tpu.memref_squeeze %dma_wait3A_330 : memref<1x8192xf32, #tpu.memory_space<hbm>> -> memref<8192xf32, #tpu.memory_space<hbm>>
    tpu.wait_dma2 semaphore(%arg12 : memref<!tpu.dma_semaphore, #tpu.memory_space<semaphore_mem>>) src(%dma_wait3A_331 : memref<8192xf32, #tpu.memory_space<hbm>>) dst(%dma_wait3A_328 : memref<8192xf32, #tpu.memory_space<vmem>>)
    %dma_start3A_332 = arith.constant 7 : i32
    %dma_start3A_333 = arith.constant 0 : i32
    %dma_start3A_334 = tpu.memref_slice %arg4[%dma_start3A_332, %dma_start3A_333] : memref<8x8192xf32, #tpu.memory_space<vmem>> -> memref<1x8192xf32, #tpu.memory_space<vmem>>
    %dma_start3A_335 = tpu.memref_squeeze %dma_start3A_334 : memref<1x8192xf32, #tpu.memory_space<vmem>> -> memref<8192xf32, #tpu.memory_space<vmem>>
    %dma_start3A_336 = arith.constant 24576 : i32
    %dma_start3A_337 = tpu.memref_slice %arg3[%add3A_18, %dma_start3A_336] : memref<64x32768xf32, #tpu.memory_space<hbm>> -> memref<1x8192xf32, #tpu.memory_space<hbm>>
    %dma_start3A_338 = tpu.memref_squeeze %dma_start3A_337 : memref<1x8192xf32, #tpu.memory_space<hbm>> -> memref<8192xf32, #tpu.memory_space<hbm>>
    %dma_start3A_339 = arith.constant 24576 : i32
    %dma_start3A_340 = tpu.memref_slice %arg3[%add3A_18, %dma_start3A_339] : memref<64x32768xf32, #tpu.memory_space<hbm>> -> memref<1x8192xf32, #tpu.memory_space<hbm>>
    %dma_start3A_341 = tpu.memref_squeeze %dma_start3A_340 : memref<1x8192xf32, #tpu.memory_space<hbm>> -> memref<8192xf32, #tpu.memory_space<hbm>>
    %dma_start3A_342 = arith.constant 0 : i32
    %dma_start3A_343 = tpu.memref_slice %arg4[%dma_start3A_332, %dma_start3A_342] : memref<8x8192xf32, #tpu.memory_space<vmem>> -> memref<1x8192xf32, #tpu.memory_space<vmem>>
    %dma_start3A_344 = tpu.memref_squeeze %dma_start3A_343 : memref<1x8192xf32, #tpu.memory_space<vmem>> -> memref<8192xf32, #tpu.memory_space<vmem>>
    tpu.enqueue_dma source(%dma_start3A_344 : memref<8192xf32, #tpu.memory_space<vmem>>) target(%dma_start3A_341 : memref<8192xf32, #tpu.memory_space<hbm>>) target_semaphore(%arg13 : memref<!tpu.dma_semaphore, #tpu.memory_space<semaphore_mem>>)
    %dma_wait3A_345 = arith.constant 0 : i32
    %dma_wait3A_346 = arith.constant 0 : i32
    %dma_wait3A_347 = tpu.memref_slice %arg4[%dma_wait3A_345, %dma_wait3A_346] : memref<8x8192xf32, #tpu.memory_space<vmem>> -> memref<1x8192xf32, #tpu.memory_space<vmem>>
    %dma_wait3A_348 = tpu.memref_squeeze %dma_wait3A_347 : memref<1x8192xf32, #tpu.memory_space<vmem>> -> memref<8192xf32, #tpu.memory_space<vmem>>
    %dma_wait3A_349 = arith.constant 0 : i32
    %dma_wait3A_350 = tpu.memref_slice %arg3[%add3A_4, %dma_wait3A_349] : memref<64x32768xf32, #tpu.memory_space<hbm>> -> memref<1x8192xf32, #tpu.memory_space<hbm>>
    %dma_wait3A_351 = tpu.memref_squeeze %dma_wait3A_350 : memref<1x8192xf32, #tpu.memory_space<hbm>> -> memref<8192xf32, #tpu.memory_space<hbm>>
    %dma_wait3A_352 = arith.constant 0 : i32
    %dma_wait3A_353 = tpu.memref_slice %arg3[%add3A_4, %dma_wait3A_352] : memref<64x32768xf32, #tpu.memory_space<hbm>> -> memref<1x8192xf32, #tpu.memory_space<hbm>>
    %dma_wait3A_354 = tpu.memref_squeeze %dma_wait3A_353 : memref<1x8192xf32, #tpu.memory_space<hbm>> -> memref<8192xf32, #tpu.memory_space<hbm>>
    %dma_wait3A_355 = arith.constant 0 : i32
    %dma_wait3A_356 = tpu.memref_slice %arg4[%dma_wait3A_345, %dma_wait3A_355] : memref<8x8192xf32, #tpu.memory_space<vmem>> -> memref<1x8192xf32, #tpu.memory_space<vmem>>
    %dma_wait3A_357 = tpu.memref_squeeze %dma_wait3A_356 : memref<1x8192xf32, #tpu.memory_space<vmem>> -> memref<8192xf32, #tpu.memory_space<vmem>>
    tpu.wait_dma2 semaphore(%arg13 : memref<!tpu.dma_semaphore, #tpu.memory_space<semaphore_mem>>) src(%dma_wait3A_357 : memref<8192xf32, #tpu.memory_space<vmem>>) dst(%dma_wait3A_354 : memref<8192xf32, #tpu.memory_space<hbm>>)
    %dma_wait3A_358 = arith.constant 1 : i32
    %dma_wait3A_359 = arith.constant 0 : i32
    %dma_wait3A_360 = tpu.memref_slice %arg4[%dma_wait3A_358, %dma_wait3A_359] : memref<8x8192xf32, #tpu.memory_space<vmem>> -> memref<1x8192xf32, #tpu.memory_space<vmem>>
    %dma_wait3A_361 = tpu.memref_squeeze %dma_wait3A_360 : memref<1x8192xf32, #tpu.memory_space<vmem>> -> memref<8192xf32, #tpu.memory_space<vmem>>
    %dma_wait3A_362 = arith.constant 8192 : i32
    %dma_wait3A_363 = tpu.memref_slice %arg3[%add3A_6, %dma_wait3A_362] : memref<64x32768xf32, #tpu.memory_space<hbm>> -> memref<1x8192xf32, #tpu.memory_space<hbm>>
    %dma_wait3A_364 = tpu.memref_squeeze %dma_wait3A_363 : memref<1x8192xf32, #tpu.memory_space<hbm>> -> memref<8192xf32, #tpu.memory_space<hbm>>
    %dma_wait3A_365 = arith.constant 8192 : i32
    %dma_wait3A_366 = tpu.memref_slice %arg3[%add3A_6, %dma_wait3A_365] : memref<64x32768xf32, #tpu.memory_space<hbm>> -> memref<1x8192xf32, #tpu.memory_space<hbm>>
    %dma_wait3A_367 = tpu.memref_squeeze %dma_wait3A_366 : memref<1x8192xf32, #tpu.memory_space<hbm>> -> memref<8192xf32, #tpu.memory_space<hbm>>
    %dma_wait3A_368 = arith.constant 0 : i32
    %dma_wait3A_369 = tpu.memref_slice %arg4[%dma_wait3A_358, %dma_wait3A_368] : memref<8x8192xf32, #tpu.memory_space<vmem>> -> memref<1x8192xf32, #tpu.memory_space<vmem>>
    %dma_wait3A_370 = tpu.memref_squeeze %dma_wait3A_369 : memref<1x8192xf32, #tpu.memory_space<vmem>> -> memref<8192xf32, #tpu.memory_space<vmem>>
    tpu.wait_dma2 semaphore(%arg13 : memref<!tpu.dma_semaphore, #tpu.memory_space<semaphore_mem>>) src(%dma_wait3A_370 : memref<8192xf32, #tpu.memory_space<vmem>>) dst(%dma_wait3A_367 : memref<8192xf32, #tpu.memory_space<hbm>>)
    %dma_wait3A_371 = arith.constant 2 : i32
    %dma_wait3A_372 = arith.constant 0 : i32
    %dma_wait3A_373 = tpu.memref_slice %arg4[%dma_wait3A_371, %dma_wait3A_372] : memref<8x8192xf32, #tpu.memory_space<vmem>> -> memref<1x8192xf32, #tpu.memory_space<vmem>>
    %dma_wait3A_374 = tpu.memref_squeeze %dma_wait3A_373 : memref<1x8192xf32, #tpu.memory_space<vmem>> -> memref<8192xf32, #tpu.memory_space<vmem>>
    %dma_wait3A_375 = arith.constant 16384 : i32
    %dma_wait3A_376 = tpu.memref_slice %arg3[%add3A_8, %dma_wait3A_375] : memref<64x32768xf32, #tpu.memory_space<hbm>> -> memref<1x8192xf32, #tpu.memory_space<hbm>>
    %dma_wait3A_377 = tpu.memref_squeeze %dma_wait3A_376 : memref<1x8192xf32, #tpu.memory_space<hbm>> -> memref<8192xf32, #tpu.memory_space<hbm>>
    %dma_wait3A_378 = arith.constant 16384 : i32
    %dma_wait3A_379 = tpu.memref_slice %arg3[%add3A_8, %dma_wait3A_378] : memref<64x32768xf32, #tpu.memory_space<hbm>> -> memref<1x8192xf32, #tpu.memory_space<hbm>>
    %dma_wait3A_380 = tpu.memref_squeeze %dma_wait3A_379 : memref<1x8192xf32, #tpu.memory_space<hbm>> -> memref<8192xf32, #tpu.memory_space<hbm>>
    %dma_wait3A_381 = arith.constant 0 : i32
    %dma_wait3A_382 = tpu.memref_slice %arg4[%dma_wait3A_371, %dma_wait3A_381] : memref<8x8192xf32, #tpu.memory_space<vmem>> -> memref<1x8192xf32, #tpu.memory_space<vmem>>
    %dma_wait3A_383 = tpu.memref_squeeze %dma_wait3A_382 : memref<1x8192xf32, #tpu.memory_space<vmem>> -> memref<8192xf32, #tpu.memory_space<vmem>>
    tpu.wait_dma2 semaphore(%arg13 : memref<!tpu.dma_semaphore, #tpu.memory_space<semaphore_mem>>) src(%dma_wait3A_383 : memref<8192xf32, #tpu.memory_space<vmem>>) dst(%dma_wait3A_380 : memref<8192xf32, #tpu.memory_space<hbm>>)
    %dma_wait3A_384 = arith.constant 3 : i32
    %dma_wait3A_385 = arith.constant 0 : i32
    %dma_wait3A_386 = tpu.memref_slice %arg4[%dma_wait3A_384, %dma_wait3A_385] : memref<8x8192xf32, #tpu.memory_space<vmem>> -> memref<1x8192xf32, #tpu.memory_space<vmem>>
    %dma_wait3A_387 = tpu.memref_squeeze %dma_wait3A_386 : memref<1x8192xf32, #tpu.memory_space<vmem>> -> memref<8192xf32, #tpu.memory_space<vmem>>
    %dma_wait3A_388 = arith.constant 24576 : i32
    %dma_wait3A_389 = tpu.memref_slice %arg3[%add3A_10, %dma_wait3A_388] : memref<64x32768xf32, #tpu.memory_space<hbm>> -> memref<1x8192xf32, #tpu.memory_space<hbm>>
    %dma_wait3A_390 = tpu.memref_squeeze %dma_wait3A_389 : memref<1x8192xf32, #tpu.memory_space<hbm>> -> memref<8192xf32, #tpu.memory_space<hbm>>
    %dma_wait3A_391 = arith.constant 24576 : i32
    %dma_wait3A_392 = tpu.memref_slice %arg3[%add3A_10, %dma_wait3A_391] : memref<64x32768xf32, #tpu.memory_space<hbm>> -> memref<1x8192xf32, #tpu.memory_space<hbm>>
    %dma_wait3A_393 = tpu.memref_squeeze %dma_wait3A_392 : memref<1x8192xf32, #tpu.memory_space<hbm>> -> memref<8192xf32, #tpu.memory_space<hbm>>
    %dma_wait3A_394 = arith.constant 0 : i32
    %dma_wait3A_395 = tpu.memref_slice %arg4[%dma_wait3A_384, %dma_wait3A_394] : memref<8x8192xf32, #tpu.memory_space<vmem>> -> memref<1x8192xf32, #tpu.memory_space<vmem>>
    %dma_wait3A_396 = tpu.memref_squeeze %dma_wait3A_395 : memref<1x8192xf32, #tpu.memory_space<vmem>> -> memref<8192xf32, #tpu.memory_space<vmem>>
    tpu.wait_dma2 semaphore(%arg13 : memref<!tpu.dma_semaphore, #tpu.memory_space<semaphore_mem>>) src(%dma_wait3A_396 : memref<8192xf32, #tpu.memory_space<vmem>>) dst(%dma_wait3A_393 : memref<8192xf32, #tpu.memory_space<hbm>>)
    %dma_wait3A_397 = arith.constant 4 : i32
    %dma_wait3A_398 = arith.constant 0 : i32
    %dma_wait3A_399 = tpu.memref_slice %arg4[%dma_wait3A_397, %dma_wait3A_398] : memref<8x8192xf32, #tpu.memory_space<vmem>> -> memref<1x8192xf32, #tpu.memory_space<vmem>>
    %dma_wait3A_400 = tpu.memref_squeeze %dma_wait3A_399 : memref<1x8192xf32, #tpu.memory_space<vmem>> -> memref<8192xf32, #tpu.memory_space<vmem>>
    %dma_wait3A_401 = arith.constant 0 : i32
    %dma_wait3A_402 = tpu.memref_slice %arg3[%add3A_12, %dma_wait3A_401] : memref<64x32768xf32, #tpu.memory_space<hbm>> -> memref<1x8192xf32, #tpu.memory_space<hbm>>
    %dma_wait3A_403 = tpu.memref_squeeze %dma_wait3A_402 : memref<1x8192xf32, #tpu.memory_space<hbm>> -> memref<8192xf32, #tpu.memory_space<hbm>>
    %dma_wait3A_404 = arith.constant 0 : i32
    %dma_wait3A_405 = tpu.memref_slice %arg3[%add3A_12, %dma_wait3A_404] : memref<64x32768xf32, #tpu.memory_space<hbm>> -> memref<1x8192xf32, #tpu.memory_space<hbm>>
    %dma_wait3A_406 = tpu.memref_squeeze %dma_wait3A_405 : memref<1x8192xf32, #tpu.memory_space<hbm>> -> memref<8192xf32, #tpu.memory_space<hbm>>
    %dma_wait3A_407 = arith.constant 0 : i32
    %dma_wait3A_408 = tpu.memref_slice %arg4[%dma_wait3A_397, %dma_wait3A_407] : memref<8x8192xf32, #tpu.memory_space<vmem>> -> memref<1x8192xf32, #tpu.memory_space<vmem>>
    %dma_wait3A_409 = tpu.memref_squeeze %dma_wait3A_408 : memref<1x8192xf32, #tpu.memory_space<vmem>> -> memref<8192xf32, #tpu.memory_space<vmem>>
    tpu.wait_dma2 semaphore(%arg13 : memref<!tpu.dma_semaphore, #tpu.memory_space<semaphore_mem>>) src(%dma_wait3A_409 : memref<8192xf32, #tpu.memory_space<vmem>>) dst(%dma_wait3A_406 : memref<8192xf32, #tpu.memory_space<hbm>>)
    %dma_wait3A_410 = arith.constant 5 : i32
    %dma_wait3A_411 = arith.constant 0 : i32
    %dma_wait3A_412 = tpu.memref_slice %arg4[%dma_wait3A_410, %dma_wait3A_411] : memref<8x8192xf32, #tpu.memory_space<vmem>> -> memref<1x8192xf32, #tpu.memory_space<vmem>>
    %dma_wait3A_413 = tpu.memref_squeeze %dma_wait3A_412 : memref<1x8192xf32, #tpu.memory_space<vmem>> -> memref<8192xf32, #tpu.memory_space<vmem>>
    %dma_wait3A_414 = arith.constant 8192 : i32
    %dma_wait3A_415 = tpu.memref_slice %arg3[%add3A_14, %dma_wait3A_414] : memref<64x32768xf32, #tpu.memory_space<hbm>> -> memref<1x8192xf32, #tpu.memory_space<hbm>>
    %dma_wait3A_416 = tpu.memref_squeeze %dma_wait3A_415 : memref<1x8192xf32, #tpu.memory_space<hbm>> -> memref<8192xf32, #tpu.memory_space<hbm>>
    %dma_wait3A_417 = arith.constant 8192 : i32
    %dma_wait3A_418 = tpu.memref_slice %arg3[%add3A_14, %dma_wait3A_417] : memref<64x32768xf32, #tpu.memory_space<hbm>> -> memref<1x8192xf32, #tpu.memory_space<hbm>>
    %dma_wait3A_419 = tpu.memref_squeeze %dma_wait3A_418 : memref<1x8192xf32, #tpu.memory_space<hbm>> -> memref<8192xf32, #tpu.memory_space<hbm>>
    %dma_wait3A_420 = arith.constant 0 : i32
    %dma_wait3A_421 = tpu.memref_slice %arg4[%dma_wait3A_410, %dma_wait3A_420] : memref<8x8192xf32, #tpu.memory_space<vmem>> -> memref<1x8192xf32, #tpu.memory_space<vmem>>
    %dma_wait3A_422 = tpu.memref_squeeze %dma_wait3A_421 : memref<1x8192xf32, #tpu.memory_space<vmem>> -> memref<8192xf32, #tpu.memory_space<vmem>>
    tpu.wait_dma2 semaphore(%arg13 : memref<!tpu.dma_semaphore, #tpu.memory_space<semaphore_mem>>) src(%dma_wait3A_422 : memref<8192xf32, #tpu.memory_space<vmem>>) dst(%dma_wait3A_419 : memref<8192xf32, #tpu.memory_space<hbm>>)
    %dma_wait3A_423 = arith.constant 6 : i32
    %dma_wait3A_424 = arith.constant 0 : i32
    %dma_wait3A_425 = tpu.memref_slice %arg4[%dma_wait3A_423, %dma_wait3A_424] : memref<8x8192xf32, #tpu.memory_space<vmem>> -> memref<1x8192xf32, #tpu.memory_space<vmem>>
    %dma_wait3A_426 = tpu.memref_squeeze %dma_wait3A_425 : memref<1x8192xf32, #tpu.memory_space<vmem>> -> memref<8192xf32, #tpu.memory_space<vmem>>
    %dma_wait3A_427 = arith.constant 16384 : i32
    %dma_wait3A_428 = tpu.memref_slice %arg3[%add3A_16, %dma_wait3A_427] : memref<64x32768xf32, #tpu.memory_space<hbm>> -> memref<1x8192xf32, #tpu.memory_space<hbm>>
    %dma_wait3A_429 = tpu.memref_squeeze %dma_wait3A_428 : memref<1x8192xf32, #tpu.memory_space<hbm>> -> memref<8192xf32, #tpu.memory_space<hbm>>
    %dma_wait3A_430 = arith.constant 16384 : i32
    %dma_wait3A_431 = tpu.memref_slice %arg3[%add3A_16, %dma_wait3A_430] : memref<64x32768xf32, #tpu.memory_space<hbm>> -> memref<1x8192xf32, #tpu.memory_space<hbm>>
    %dma_wait3A_432 = tpu.memref_squeeze %dma_wait3A_431 : memref<1x8192xf32, #tpu.memory_space<hbm>> -> memref<8192xf32, #tpu.memory_space<hbm>>
    %dma_wait3A_433 = arith.constant 0 : i32
    %dma_wait3A_434 = tpu.memref_slice %arg4[%dma_wait3A_423, %dma_wait3A_433] : memref<8x8192xf32, #tpu.memory_space<vmem>> -> memref<1x8192xf32, #tpu.memory_space<vmem>>
    %dma_wait3A_435 = tpu.memref_squeeze %dma_wait3A_434 : memref<1x8192xf32, #tpu.memory_space<vmem>> -> memref<8192xf32, #tpu.memory_space<vmem>>
    tpu.wait_dma2 semaphore(%arg13 : memref<!tpu.dma_semaphore, #tpu.memory_space<semaphore_mem>>) src(%dma_wait3A_435 : memref<8192xf32, #tpu.memory_space<vmem>>) dst(%dma_wait3A_432 : memref<8192xf32, #tpu.memory_space<hbm>>)
    %dma_wait3A_436 = arith.constant 7 : i32
    %dma_wait3A_437 = arith.constant 0 : i32
    %dma_wait3A_438 = tpu.memref_slice %arg4[%dma_wait3A_436, %dma_wait3A_437] : memref<8x8192xf32, #tpu.memory_space<vmem>> -> memref<1x8192xf32, #tpu.memory_space<vmem>>
    %dma_wait3A_439 = tpu.memref_squeeze %dma_wait3A_438 : memref<1x8192xf32, #tpu.memory_space<vmem>> -> memref<8192xf32, #tpu.memory_space<vmem>>
    %dma_wait3A_440 = arith.constant 24576 : i32
    %dma_wait3A_441 = tpu.memref_slice %arg3[%add3A_18, %dma_wait3A_440] : memref<64x32768xf32, #tpu.memory_space<hbm>> -> memref<1x8192xf32, #tpu.memory_space<hbm>>
    %dma_wait3A_442 = tpu.memref_squeeze %dma_wait3A_441 : memref<1x8192xf32, #tpu.memory_space<hbm>> -> memref<8192xf32, #tpu.memory_space<hbm>>
    %dma_wait3A_443 = arith.constant 24576 : i32
    %dma_wait3A_444 = tpu.memref_slice %arg3[%add3A_18, %dma_wait3A_443] : memref<64x32768xf32, #tpu.memory_space<hbm>> -> memref<1x8192xf32, #tpu.memory_space<hbm>>
    %dma_wait3A_445 = tpu.memref_squeeze %dma_wait3A_444 : memref<1x8192xf32, #tpu.memory_space<hbm>> -> memref<8192xf32, #tpu.memory_space<hbm>>
    %dma_wait3A_446 = arith.constant 0 : i32
    %dma_wait3A_447 = tpu.memref_slice %arg4[%dma_wait3A_436, %dma_wait3A_446] : memref<8x8192xf32, #tpu.memory_space<vmem>> -> memref<1x8192xf32, #tpu.memory_space<vmem>>
    %dma_wait3A_448 = tpu.memref_squeeze %dma_wait3A_447 : memref<1x8192xf32, #tpu.memory_space<vmem>> -> memref<8192xf32, #tpu.memory_space<vmem>>
    tpu.wait_dma2 semaphore(%arg13 : memref<!tpu.dma_semaphore, #tpu.memory_space<semaphore_mem>>) src(%dma_wait3A_448 : memref<8192xf32, #tpu.memory_space<vmem>>) dst(%dma_wait3A_445 : memref<8192xf32, #tpu.memory_space<hbm>>)
    return
  }
}

</mosaic_0001>

<sc_bundles>
// kernel: kernel.3.cloned.1.call-start
scs
__scs_entry_jumppad:
0x0: {  	(pc) =	sbr.rel $0x88, $3  }
0x1: {  	(tag) =	ssettag $0x0;
	lr =	simm.s32 $0x1  }
0x2: {  	[smem:$0x3FA0] =	sst lr;
	_ =	strace $0xD0000000  }
0x3: {  	_ = 	snop  }
0x4: {  	_ = 	snop  }
0x5: {  	_ = 	snop  }
0x6: {  	_ = 	snop  }
0x7: {  	_ = 	snop  }
__scs_overlays_trampoline_lowered:
0x8: {  	[smem:$0x3FAF] =	sst s0  }
0x9: {  	[smem:$0x3FB0] =	sst s1  }
0xa: {  	[smem:$0x3FB1] =	sst s2  }
0xb: {  	[smem:$0x3FB2] =	sst s3  }
0xc: {  	[smem:$0x3FB3] =	sst s4  }
0xd: {  	[smem:$0x3FB4] =	sst s5  }
0xe: {  	[smem:$0x3FB5] =	sst s6  }
0xf: {  	[smem:$0x3FB6] =	sst s7  }
0x10: {  	[smem:$0x3FB7] =	sst s8  }
0x11: {  	[smem:$0x3FB8] =	sst s9;
	s0 =	simm.s32 @!p0 $0x0  }
0x12: {  	s1 =	sld [smem:$0x3F9E];
	s0 =	simm.s32 @p0 $0x1  }
0x13: {  	[smem:$0x3FB9] =	sst s0;
	s0 =	simm.s32 @!p1 $0x0  }
0x14: {  	s2 =	sld [smem:$0x3F9D];
	s0 =	simm.s32 @p1 $0x1  }
0x15: {  	[smem:$0x3FBA] =	sst s0;
	s0 =	simm.s32 @!p2 $0x0  }
0x16: {  	s3 =	sld [smem:$0x3FDB];
	s0 =	simm.s32 @p2 $0x1  }
0x17: {  	s4 =	simm.s32 $0x1BF5;
	[smem:$0x3FBC] =	sst s0  }
0x18: {  	s0 =	sld [smem:$0x3F9F];
	_ =	swait.ge [sflag:s4], $0x0  }
0x19: {  	s7 =	sld [smem:$0x3FA0]  }
0x1a: {  	s8 =	sadd.s32 $0xFFFFE003, lr  }
0x1b: {  	s9 =	sadd.s32 $0xFFFFFEF7, lr;
	s5 =	simm.s32 $0xFFFFFFFF;
	p2 =	slt.u32 s8, $0xFFFFF086  }
0x1c: {  	p1 =	slt.u32 s9, $0xF7A;
	s5 =	simm.s32 @!p2 $0x0  }
0x1d: {  	s5 =	simm.s32 @p1 $0x1;
	p0 =	seq.s32 s7, s2  }
0x1e: {  	s7 =	smul.u32 @!p0 $0xF7A, s2;
	p2 =	seq.s32 @!p0 s5, $0x0  }
0x1f: {  	s9 =	smul.u32 $0xF7A, s1;
	s8 =	simm.s32 @!p0 $0x1BF5;
	p2 =	por !p2, p0  }
0x20: {  	[sflag:s8] =	ssyncset.s32 @!p0 $0xFFFFF086;
	s6 =	sadd.s32 @!p0 s3, s7;
	s7 =	simm.s32 @!p0 $0x108  }
0x21: {  	s3 =	sadd.s32 s3, s9;
	s6 =	sadd.s32 @!p0 $0x88, s6;
	s7 =	simm.s32 @p2 $0x1082  }
0x22: {  	[simem:s7], [sflag:s8] =	dma.local @!p0 [hbm:s6], $0xF7A  }
0x23: {  	s9 =	sor.u32 $0xD0000000, s2;
	s6 =	simm.s32 $0x108;
	_ =	swait.ge @!p0 [sflag:s8], $0x0  }
0x24: {  	s3 =	sadd.s32 $0x88, s3;
	s6 =	simm.s32 @!p1 $0x1082;
	[sflag:s4] =	ssyncset.s32 $0xFFFFF086  }
0x25: {  	[simem:s6], [sflag:s4] =	dma.local [hbm:s3], $0xF7A  }
0x26: {  	[smem:$0x3FA0] =	sst s1;
	(tag) =	ssettag s2;
	_ =	strace s9  }
0x27: {  	s1 =	sld [smem:$0x3FB0]  }
0x28: {  	s2 =	sld [smem:$0x3FB1]  }
0x29: {  	s4 =	sld [smem:$0x3FB3]  }
0x2a: {  	p0 =	seq.s32 s5, $0x0;
	s5 =	sld [smem:$0x3FB4]  }
0x2b: {  	s6 =	sld [smem:$0x3FB5]  }
0x2c: {  	s7 =	sld [smem:$0x3FB6]  }
0x2d: {  	s3 =	simm.s32 $0x108;
	s8 =	sld [smem:$0x3FB7]  }
0x2e: {  	s3 =	simm.s32 @!p0 $0x1082;
	s9 =	sld [smem:$0x3FB8]  }
0x2f: {  	lr =	sadd.s32 s0, s3;
	s0 =	sld [smem:$0x3FAF]  }
0x30: {  	s3 =	sld [smem:$0x3FB2]  }
0x31: {  	[smem:$0x3FBB] =	sst s10  }
0x32: {  	s10 =	sld [smem:$0x3FB9];
	_ =	sdelay $0x3  }
0x33: {  	p0 =	seq.s32 s10, $0x1;
	s10 =	sld [smem:$0x3FBB];
	_ =	sdelay $0x3  }
0x34: {  	[smem:$0x3FBB] =	sst s10  }
0x35: {  	s10 =	sld [smem:$0x3FBA];
	_ =	sdelay $0x3  }
0x36: {  	p1 =	seq.s32 s10, $0x1;
	s10 =	sld [smem:$0x3FBB];
	_ =	sdelay $0x3  }
0x37: {  	[smem:$0x3FBB] =	sst s10  }
0x38: {  	s10 =	sld [smem:$0x3FBC]  }
0x39: {  	_ = 	snop;
	(pc) =	sbr.ind lr, $3  }
0x3a: {  	_ = 	snop  }
0x3b: {  	_ = 	snop  }
0x3c: {  	p2 =	seq.s32 s10, $0x1;
	s10 =	sld [smem:$0x3FBB]  }
0x3d: {  	_ =	shalt  }
0x3e: {  	_ =	shalt  }
0x3f: {  	_ =	shalt  }
0x40: {  	_ =	shalt  }
0x41: {  	_ =	shalt  }
0x42: {  	_ =	shalt  }
0x43: {  	_ =	shalt  }
0x44: {  	_ =	shalt  }
0x45: {  	_ =	shalt  }
0x46: {  	_ =	shalt  }
0x47: {  	_ =	shalt  }
0x48: {  	_ =	shalt  }
0x49: {  	_ =	shalt  }
0x4a: {  	_ =	shalt  }
0x4b: {  	_ =	shalt  }
0x4c: {  	_ =	shalt  }
0x4d: {  	_ =	shalt  }
0x4e: {  	_ =	shalt  }
0x4f: {  	_ =	shalt  }
0x50: {  	_ =	shalt  }
0x51: {  	_ =	shalt  }
0x52: {  	_ =	shalt  }
0x53: {  	_ =	shalt  }
0x54: {  	_ =	shalt  }
0x55: {  	_ =	shalt  }
0x56: {  	_ =	shalt  }
0x57: {  	_ =	shalt  }
0x58: {  	_ =	shalt  }
0x59: {  	_ =	shalt  }
0x5a: {  	_ =	shalt  }
0x5b: {  	_ =	shalt  }
0x5c: {  	_ =	shalt  }
0x5d: {  	_ =	shalt  }
0x5e: {  	_ =	shalt  }
0x5f: {  	_ =	shalt  }
0x60: {  	_ =	shalt  }
0x61: {  	_ =	shalt  }
0x62: {  	_ =	shalt  }
0x63: {  	_ =	shalt  }
0x64: {  	_ =	shalt  }
0x65: {  	_ =	shalt  }
0x66: {  	_ =	shalt  }
0x67: {  	_ =	shalt  }
0x68: {  	_ =	shalt  }
0x69: {  	_ =	shalt  }
0x6a: {  	_ =	shalt  }
0x6b: {  	_ =	shalt  }
0x6c: {  	_ =	shalt  }
0x6d: {  	_ =	shalt  }
0x6e: {  	_ =	shalt  }
0x6f: {  	_ =	shalt  }
0x70: {  	_ =	shalt  }
0x71: {  	_ =	shalt  }
0x72: {  	_ =	shalt  }
0x73: {  	_ =	shalt  }
0x74: {  	_ =	shalt  }
0x75: {  	_ =	shalt  }
0x76: {  	_ =	shalt  }
0x77: {  	_ =	shalt  }
0x78: {  	_ =	shalt  }
0x79: {  	_ =	shalt  }
0x7a: {  	_ =	shalt  }
0x7b: {  	_ =	shalt  }
0x7c: {  	_ =	shalt  }
0x7d: {  	_ =	shalt  }
0x7e: {  	_ =	shalt  }
0x7f: {  	_ =	shalt  }
0x80: {  	_ =	shalt  }
0x81: {  	_ =	shalt  }
0x82: {  	_ =	shalt  }
0x83: {  	_ =	shalt  }
0x84: {  	_ =	shalt  }
0x85: {  	_ =	shalt  }
0x86: {  	_ =	shalt  }
0x87: {  	_ =	shalt  }
.Lfunc_end0:
.L_simem_size_0:
called_computation_lowered:
.L_overlay_start_0:
0x88: {  	s2 =	sld [smem:$0x3FD9]  }
0x89: {  	s3 =	sld [smem:$0x3FFE];
	_ =	sdelay $0x1  }
0x8a: {  	s1 =	srdreg.scid  }
0x8b: {  	s0 =	sand.u32 $0x1, s1  }
0x8c: {  	s18 =	sshll.u32 s0, $0xA;
	s2 =	sadd.s32 s3, s2  }
0x8d: {  	s2 =	sadd.s32 s2, s18  }
0x8e: {  	[smem:$0x3FC7] =	sst s2  }
0x8f: {  	_ = 	snop  }
0x90: {  	s2 =	sld [smem:$0x3FC9]  }
0x91: {  	s19 =	sld [smem:$0x3FD0];
	(tm) =	ssettm $0x1  }
0x92: {  	s4 =	sld [smem:$0x3FFB];
	_ =	sdelay $0x3  }
0x93: {  	_ =	strace s4  }
0x94: {  	s4 =	sld [smem:$0x3FFC];
	_ =	sdelay $0x3  }
0x95: {  	_ =	strace s4  }
0x96: {  	s4 =	sld [smem:$0x3FFD];
	_ =	sdelay $0x3  }
0x97: {  	_ =	strace s4  }
0x98: {  	_ =	strace $0x8FFFFFFF  }
0x99: {  	s20 =	sld [smem:$0x3FDB];
	_ =	sdelay $0x1  }
0x9a: {  	s5 =	simm.s32 $_scs_section_size  }
0x9b: {  	s6 =	simm.s32 $_size__tile_overlayer_lowered;
	s7 =	simm.s32 $_tile_overlayer_lowered  }
0x9c: {  	s23 =	simm.s32 $0x1BFF;
	s22 =	sshll.u32 s7, $0x1;
	s4 =	sadd.s32 s5, s20  }
0x9d: {  	s8 =	simm.s32 $0x0;
	s21 =	sshll.u32 s6, $0x1;
	s6 =	sadd.s32 s22, s4  }
0x9e: {  	[timem:s8], [sflag:s23] =	dma.local [hbm:s6], s21  }
0x9f: {  	_ =	swait.ge [sflag:s23], s21  }
0xa0: {  	s5 =	ssub.s32 $0x0, s21;
	[sflag:s23] =	ssyncset.done $0x0  }
0xa1: {  	[sflag:s23] =	ssyncadd.s32 s5;
	_ =	sdelay $0x1  }
0xa2: {  	s24 =	simm.s32 $0x1B8B  }
0xa3: {  	_ =	swait.ge [sflag:s24], $0x1  }
0xa4: {  	[sflag:s24] =	ssyncset.done $0x0  }
0xa5: {  	s25 =	simm.s32 $0x1B8E;
	[sflag:s24] =	ssyncadd.s32 $0xFFFFFFFF  }
0xa6: {  	s26 =	simm.s32 $execute0_lowered;
	[smem:$0x3FD2] =	sst s25  }
0xa7: {  	s5 =	sshll.u32 s26, $0x1;
	_ =	strace $0x80000046;
	[dreg:$0x1] =	wrdreg $0xFFFFFFFF  }
0xa8: {  	s28 =	simm.s32 $_size_execute0_lowered;
	s4 =	sadd.s32 s4, s5;
	[dreg:$0x0] =	wrdreg $0x0  }
0xa9: {  	s5 =	sshll.u32 s28, $0x1;
	[dreg:$0x2] =	wrdreg s4  }
0xaa: {  	[dreg:$0x3] =	wrdreg s5  }
0xab: {  	[dreg:$0x4] =	wrdreg $0xC0  }
0xac: {  	_ =	task [dreg:s8], $0x5FFFF  }
0xad: {  	[dreg:$0x1] =	wrdreg $0xFFFFFFFF  }
0xae: {  	[dreg:$0x0] =	wrdreg $0x60  }
0xaf: {  	[dreg:$0x2] =	wrdreg s2  }
0xb0: {  	[dreg:$0x3] =	wrdreg s19  }
0xb1: {  	[dreg:$0x4] =	wrdreg $0x9  }
0xb2: {  	_ =	task.clear_ibuf [dreg:s8], $0x5FFFF;
	_ =	strace $0x90000046  }
0xb3: {  	s29 =	simm.s32 $0x9;
	_ =	strace $0x80000048  }
0xb4: {  	_ =	swait.ge [sflag:s29], $0x1  }
0xb5: {  	[sflag:s29] =	ssyncadd.s32 $0xFFFFFFFF  }
0xb6: {  	_ =	strace $0x90000048  }
0xb7: {  	_ =	sfence  }
0xb8: {  	s30 =	sld [smem:$0x0];
	_ =	sdelay $0x2  }
0xb9: {  	s31 =	sshll.u32 s1, $0xD;
	s1 =	sshrl.u32 s1, $0x2  }
0xba: {  	s3 =	sand.u32 $0x4000, s31;
	s1 =	sadd.s32 s1, s30  }
0xbb: {  	s0 =	sor.u32 s3, s0;
	s1 =	sshll.u32 s1, $0x11  }
0xbc: {  	s0 =	sor.u32 s1, s0  }
0xbd: {  	s0 =	sadd.s32 $0x8F2B, s0  }
0xbe: {  	[sflag:s0] =	ssyncadd.remote.s32 $0x1  }
0xbf: {  	_ =	sfence.sel $0xFFFF  }
0xc0: {  	[dreg:$0x0] =	wrdreg $0xFFFFFFFF;
	(pc) =	sbr.abs _section_cstart, $3  }
0xc1: {  	[dreg:$0x1] =	wrdreg $0xFFFFFFFF  }
0xc2: {  	_ =	task.clear_ibuf [dreg:s8], $0x2FFFF;
	_ =	strace $0x9FFFFFFF  }
0xc3: {  	(tm) =	ssettm $0x7FFFFFFF  }
tec
execute0_lowered:
.L_overlay_start_1:
0x0: {  	(tag) =	ssettag $0x1  }
0x1: {  	s0 =	rddreg [dreg:$0x0]  }
0x2: {  	s1 =	rddreg [dreg:$0x1]  }
0x3: {  	s3 =	srdreg.scid;
	s4 =	stileid.u32;
	s2 =	simm.s32 $0x0  }
0x4: {  	s21 =	simm.s32 $0x2;
	s22 =	simm.s32 $0x3;
	s28 =	simm.s32 $0x8  }
0x5: {  	s29 =	simm.s32 $0x9;
	s30 =	simm.s32 $0x0;
	s3 =	sand.u32 $0x1, s3  }
0x6: {  	s4 =	sshll.u32 s4, $0x1;
	[smem:$0x7FF] =	sst s2;
	s16 =	sadd.s32 $0x2000, s1  }
0x7: {  	s17 =	sadd.s32 $0x4000, s1;
	s5 =	ssub.s32 $0x2, s3;
	s6 =	sor.u32 s3, s4  }
0x8: {  	_ =	strace $0x80000047;
	s23 =	sshrl.u32 s5, $0x1;
	s4 =	sshll.u32 s6, $0xF  }
0x9: {  	s7 =	sshll.u32 s6, $0x8;
	s24 =	sshll.u32 s6, $0x10;
	s19 =	ssub.s32 s5, s23  }
0xa: {  	s3 =	sadd.s32 s0, s4;
	s14 =	sand.u32 $0x1C0000, s24;
	s13 =	sand.u32 $0x300, s7  }
0xb: {  	s23 =	simm.s32 $0x4;
	s4 =	sadd.s32 $0x2000, s3;
	s5 =	sadd.s32 $0x4000, s3  }
0xc: {  	s6 =	sadd.s32 $0x6000, s3;
	s7 =	sadd.s32 $0x40, s3;
	s8 =	sadd.s32 $0x2040, s3  }
0xd: {  	s10 =	sor.u32 s13, s14;
	s9 =	sadd.s32 $0x4040, s3;
	s18 =	sor.u32 s24, s13  }
0xe: {  	s20 =	sor.u32 $0x80, s13;
	s31 =	smax.u32 s19, $0x1;
	s15 =	sshrl.u32 s10, $0x3  }
0xf: {  	s10 =	sadd.s32 $0x6040, s3;
	s25 =	sshrl.u32 s18, $0x3;
	s14 =	sor.u32 s14, s20  }
0x10: {  	s0 =	sor.u32 s24, s20;
	[dreg:$0x3] =	wrdreg s31;
	s20 =	simm.s32 $0x1  }
0x11: {  	s24 =	simm.s32 $0x5;
	s11 =	sadd.s32 s1, s15;
	s12 =	sadd.s32 s15, s16  }
0x12: {  	s13 =	sadd.s32 s15, s17;
	s15 =	sor.u32 $0x6000, s25;
	s26 =	sshrl.u32 s14, $0x3  }
0x13: {  	s0 =	sshrl.u32 s0, $0x3;
	s25 =	simm.s32 $0x6;
	s14 =	sadd.s32 s1, s15  }
0x14: {  	s15 =	sadd.s32 s1, s26;
	s16 =	sadd.s32 s26, s16;
	s0 =	sor.u32 $0x6000, s0  }
0x15: {  	s17 =	sadd.s32 s26, s17;
	s26 =	simm.s32 $0x7;
	s18 =	sadd.s32 s1, s0  }
.LBB2_1:
0x16: {  	s31 =	simm.s32 $0x80  }
0x17: {  	s19 =	sadd.s32 $0x0, s3;
	s0 =	simm.s32 $0x400;
	s1 =	simm.s32 $0x0  }
.LBB2_2:
0x18: {  	[tilespmem:s1], [sflag:$0x1] =	stream.linear.gather [hbm4b:s19+s2], $0x80, $0x38;
	[tilespmem:$0x10000] =	vst v63  }
0x19: {  	s19 =	smov.u32 s31;
	s1 =	smov.u32 s0;
	p0 =	sne.s32 s31, $0x1F80  }
.Ltmp0:
0x1a: {  	s31 =	sadd.s32 $0x80, s31;
	(pc) =	sbr.rel @p0 .LBB2_2-.Ltmp0, $2  }
0x1b: {  	_ =	sdelay $0x2  }
0x1c: {  	s0 =	sadd.s32 $0x400, s0;
	s19 =	sadd.s32 s19, s3  }
0x1d: {  	[tilespmem:s1], [sflag:$0x1] =	stream.linear.gather [hbm4b:s19+s2], $0x80, $0x38;
	[tilespmem:$0x10000] =	vst v63  }
0x1e: {  	s31 =	simm.s32 $0x80  }
0x1f: {  	s0 =	simm.s32 $0x80;
	s19 =	sadd.s32 $0x0, s4;
	s1 =	simm.s32 $0x480  }
.LBB2_4:
0x20: {  	[tilespmem:s31], [sflag:$0x2] =	stream.linear.gather [hbm4b:s19+s2], $0x80, $0x38;
	[tilespmem:$0x10000] =	vst v63  }
0x21: {  	s19 =	smov.u32 s0;
	s31 =	smov.u32 s1;
	p0 =	sne.s32 s0, $0x1F80  }
.Ltmp1:
0x22: {  	s0 =	sadd.s32 $0x80, s0;
	(pc) =	sbr.rel @p0 .LBB2_4-.Ltmp1, $2  }
0x23: {  	_ =	sdelay $0x2  }
0x24: {  	s1 =	sadd.s32 $0x400, s1;
	s19 =	sadd.s32 s19, s4  }
0x25: {  	[tilespmem:s31], [sflag:$0x2] =	stream.linear.gather [hbm4b:s19+s2], $0x80, $0x38;
	[tilespmem:$0x10000] =	vst v63  }
0x26: {  	s31 =	simm.s32 $0x100  }
0x27: {  	s0 =	simm.s32 $0x80;
	s19 =	sadd.s32 $0x0, s5;
	s1 =	simm.s32 $0x500  }
.LBB2_6:
0x28: {  	[tilespmem:s31], [sflag:$0x3] =	stream.linear.gather [hbm4b:s19+s2], $0x80, $0x38;
	[tilespmem:$0x10000] =	vst v63  }
0x29: {  	s19 =	smov.u32 s0;
	s31 =	smov.u32 s1;
	p0 =	sne.s32 s0, $0x1F80  }
.Ltmp2:
0x2a: {  	s0 =	sadd.s32 $0x80, s0;
	(pc) =	sbr.rel @p0 .LBB2_6-.Ltmp2, $2  }
0x2b: {  	_ =	sdelay $0x2  }
0x2c: {  	s1 =	sadd.s32 $0x400, s1;
	s19 =	sadd.s32 s19, s5  }
0x2d: {  	[tilespmem:s31], [sflag:$0x3] =	stream.linear.gather [hbm4b:s19+s2], $0x80, $0x38;
	[tilespmem:$0x10000] =	vst v63  }
0x2e: {  	s31 =	simm.s32 $0x180  }
0x2f: {  	s0 =	simm.s32 $0x80;
	s19 =	sadd.s32 $0x0, s6;
	s1 =	simm.s32 $0x580  }
.LBB2_8:
0x30: {  	[tilespmem:s31], [sflag:$0x4] =	stream.linear.gather [hbm4b:s19+s2], $0x80, $0x38;
	[tilespmem:$0x10000] =	vst v63  }
0x31: {  	s19 =	smov.u32 s0;
	s31 =	smov.u32 s1;
	p0 =	sne.s32 s0, $0x1F80  }
.Ltmp3:
0x32: {  	s0 =	sadd.s32 $0x80, s0;
	(pc) =	sbr.rel @p0 .LBB2_8-.Ltmp3, $2  }
0x33: {  	_ =	sdelay $0x2  }
0x34: {  	s1 =	sadd.s32 $0x400, s1;
	s19 =	sadd.s32 s19, s6  }
0x35: {  	[tilespmem:s31], [sflag:$0x4] =	stream.linear.gather [hbm4b:s19+s2], $0x80, $0x38;
	[tilespmem:$0x10000] =	vst v63  }
0x36: {  	s31 =	simm.s32 $0x200  }
0x37: {  	s0 =	simm.s32 $0x80;
	s19 =	sadd.s32 $0x0, s7;
	s1 =	simm.s32 $0x600  }
.LBB2_10:
0x38: {  	[tilespmem:s31], [sflag:$0x5] =	stream.linear.gather [hbm4b:s19+s2], $0x80, $0x38;
	[tilespmem:$0x10000] =	vst v63  }
0x39: {  	s19 =	smov.u32 s0;
	s31 =	smov.u32 s1;
	p0 =	sne.s32 s0, $0x1F80  }
.Ltmp4:
0x3a: {  	s0 =	sadd.s32 $0x80, s0;
	(pc) =	sbr.rel @p0 .LBB2_10-.Ltmp4, $2  }
0x3b: {  	_ =	sdelay $0x2  }
0x3c: {  	s1 =	sadd.s32 $0x400, s1;
	s19 =	sadd.s32 s19, s7  }
0x3d: {  	[tilespmem:s31], [sflag:$0x5] =	stream.linear.gather [hbm4b:s19+s2], $0x80, $0x38;
	[tilespmem:$0x10000] =	vst v63  }
0x3e: {  	s31 =	simm.s32 $0x280  }
0x3f: {  	s0 =	simm.s32 $0x80;
	s19 =	sadd.s32 $0x0, s8;
	s1 =	simm.s32 $0x680  }
.LBB2_12:
0x40: {  	[tilespmem:s31], [sflag:$0x6] =	stream.linear.gather [hbm4b:s19+s2], $0x80, $0x38;
	[tilespmem:$0x10000] =	vst v63  }
0x41: {  	s19 =	smov.u32 s0;
	s31 =	smov.u32 s1;
	p0 =	sne.s32 s0, $0x1F80  }
.Ltmp5:
0x42: {  	s0 =	sadd.s32 $0x80, s0;
	(pc) =	sbr.rel @p0 .LBB2_12-.Ltmp5, $2  }
0x43: {  	_ =	sdelay $0x2  }
0x44: {  	s1 =	sadd.s32 $0x400, s1;
	s19 =	sadd.s32 s19, s8  }
0x45: {  	[tilespmem:s31], [sflag:$0x6] =	stream.linear.gather [hbm4b:s19+s2], $0x80, $0x38;
	[tilespmem:$0x10000] =	vst v63  }
0x46: {  	s31 =	simm.s32 $0x300  }
0x47: {  	s0 =	simm.s32 $0x80;
	s19 =	sadd.s32 $0x0, s9;
	s1 =	simm.s32 $0x700  }
.LBB2_14:
0x48: {  	[tilespmem:s31], [sflag:$0x7] =	stream.linear.gather [hbm4b:s19+s2], $0x80, $0x38;
	[tilespmem:$0x10000] =	vst v63  }
0x49: {  	s19 =	smov.u32 s0;
	s31 =	smov.u32 s1;
	p0 =	sne.s32 s0, $0x1F80  }
.Ltmp6:
0x4a: {  	s0 =	sadd.s32 $0x80, s0;
	(pc) =	sbr.rel @p0 .LBB2_14-.Ltmp6, $2  }
0x4b: {  	_ =	sdelay $0x2  }
0x4c: {  	s1 =	sadd.s32 $0x400, s1;
	s19 =	sadd.s32 s19, s9  }
0x4d: {  	[tilespmem:s31], [sflag:$0x7] =	stream.linear.gather [hbm4b:s19+s2], $0x80, $0x38;
	[tilespmem:$0x10000] =	vst v63  }
0x4e: {  	s31 =	simm.s32 $0x380  }
0x4f: {  	s0 =	simm.s32 $0x80;
	s19 =	sadd.s32 $0x0, s10;
	s1 =	simm.s32 $0x780  }
.LBB2_16:
0x50: {  	[tilespmem:s31], [sflag:$0x8] =	stream.linear.gather [hbm4b:s19+s2], $0x80, $0x38;
	[tilespmem:$0x10000] =	vst v63  }
0x51: {  	s19 =	smov.u32 s0;
	s31 =	smov.u32 s1;
	p0 =	sne.s32 s0, $0x1F80  }
.Ltmp7:
0x52: {  	s0 =	sadd.s32 $0x80, s0;
	(pc) =	sbr.rel @p0 .LBB2_16-.Ltmp7, $2  }
0x53: {  	_ =	sdelay $0x2  }
0x54: {  	s1 =	sadd.s32 $0x400, s1;
	s19 =	sadd.s32 s19, s10  }
0x55: {  	[tilespmem:s31], [sflag:$0x8] =	stream.linear.gather [hbm4b:s19+s2], $0x80, $0x38;
	[tilespmem:$0x10000] =	vst v63  }
0x56: {  	_ =	swait.ge [sflag:s20], $0x2000  }
0x57: {  	s31 =	simm.s32 $0x0;
	s0 =	simm.s32 $0x80;
	[sflag:s20] =	ssyncset.done $0x0  }
0x58: {  	s19 =	sadd.s32 $0x0, s11;
	s1 =	simm.s32 $0x400;
	[sflag:s20] =	ssyncadd.s32 $0xFFFFE000  }
.LBB2_18:
0x59: {  	[hbm4b:s19+s2] =	stream.linear.scatter [tilespmem:s31], [sflag:$0x9], $0x80, $0x38;
	[tilespmem:$0x10000] =	vst v63  }
0x5a: {  	s19 =	smov.u32 s0;
	s31 =	smov.u32 s1;
	p0 =	sne.s32 s0, $0x1F80  }
.Ltmp8:
0x5b: {  	s0 =	sadd.s32 $0x80, s0;
	(pc) =	sbr.rel @p0 .LBB2_18-.Ltmp8, $2  }
0x5c: {  	_ =	sdelay $0x2  }
0x5d: {  	s1 =	sadd.s32 $0x400, s1;
	s19 =	sadd.s32 s19, s11  }
0x5e: {  	[hbm4b:s19+s2] =	stream.linear.scatter [tilespmem:s31], [sflag:$0x9], $0x80, $0x38;
	[tilespmem:$0x10000] =	vst v63  }
0x5f: {  	_ =	swait.ge [sflag:s21], $0x2000  }
0x60: {  	s31 =	simm.s32 $0x80;
	s0 =	simm.s32 $0x80;
	[sflag:s21] =	ssyncset.done $0x0  }
0x61: {  	s19 =	sadd.s32 $0x0, s12;
	s1 =	simm.s32 $0x480;
	[sflag:s21] =	ssyncadd.s32 $0xFFFFE000  }
.LBB2_20:
0x62: {  	[hbm4b:s19+s2] =	stream.linear.scatter [tilespmem:s31], [sflag:$0x9], $0x80, $0x38;
	[tilespmem:$0x10000] =	vst v63  }
0x63: {  	s19 =	smov.u32 s0;
	s31 =	smov.u32 s1;
	p0 =	sne.s32 s0, $0x1F80  }
.Ltmp9:
0x64: {  	s0 =	sadd.s32 $0x80, s0;
	(pc) =	sbr.rel @p0 .LBB2_20-.Ltmp9, $2  }
0x65: {  	_ =	sdelay $0x2  }
0x66: {  	s1 =	sadd.s32 $0x400, s1;
	s19 =	sadd.s32 s19, s12  }
0x67: {  	[hbm4b:s19+s2] =	stream.linear.scatter [tilespmem:s31], [sflag:$0x9], $0x80, $0x38;
	[tilespmem:$0x10000] =	vst v63  }
0x68: {  	_ =	swait.ge [sflag:s22], $0x2000  }
0x69: {  	s31 =	simm.s32 $0x100;
	s0 =	simm.s32 $0x80;
	[sflag:s22] =	ssyncset.done $0x0  }
0x6a: {  	s19 =	sadd.s32 $0x0, s13;
	s1 =	simm.s32 $0x500;
	[sflag:s22] =	ssyncadd.s32 $0xFFFFE000  }
.LBB2_22:
0x6b: {  	[hbm4b:s19+s2] =	stream.linear.scatter [tilespmem:s31], [sflag:$0x9], $0x80, $0x38;
	[tilespmem:$0x10000] =	vst v63  }
0x6c: {  	s19 =	smov.u32 s0;
	s31 =	smov.u32 s1;
	p0 =	sne.s32 s0, $0x1F80  }
.Ltmp10:
0x6d: {  	s0 =	sadd.s32 $0x80, s0;
	(pc) =	sbr.rel @p0 .LBB2_22-.Ltmp10, $2  }
0x6e: {  	_ =	sdelay $0x2  }
0x6f: {  	s1 =	sadd.s32 $0x400, s1;
	s19 =	sadd.s32 s19, s13  }
0x70: {  	[hbm4b:s19+s2] =	stream.linear.scatter [tilespmem:s31], [sflag:$0x9], $0x80, $0x38;
	[tilespmem:$0x10000] =	vst v63  }
0x71: {  	_ =	swait.ge [sflag:s23], $0x2000  }
0x72: {  	s31 =	simm.s32 $0x180;
	s0 =	simm.s32 $0x80;
	[sflag:s23] =	ssyncset.done $0x0  }
0x73: {  	s19 =	sadd.s32 $0x0, s14;
	s1 =	simm.s32 $0x580;
	[sflag:s23] =	ssyncadd.s32 $0xFFFFE000  }
.LBB2_24:
0x74: {  	[hbm4b:s19+s2] =	stream.linear.scatter [tilespmem:s31], [sflag:$0x9], $0x80, $0x38;
	[tilespmem:$0x10000] =	vst v63  }
0x75: {  	s19 =	smov.u32 s0;
	s31 =	smov.u32 s1;
	p0 =	sne.s32 s0, $0x1F80  }
.Ltmp11:
0x76: {  	s0 =	sadd.s32 $0x80, s0;
	(pc) =	sbr.rel @p0 .LBB2_24-.Ltmp11, $2  }
0x77: {  	_ =	sdelay $0x2  }
0x78: {  	s1 =	sadd.s32 $0x400, s1;
	s19 =	sadd.s32 s19, s14  }
0x79: {  	[hbm4b:s19+s2] =	stream.linear.scatter [tilespmem:s31], [sflag:$0x9], $0x80, $0x38;
	[tilespmem:$0x10000] =	vst v63  }
0x7a: {  	_ =	swait.ge [sflag:s24], $0x2000  }
0x7b: {  	s31 =	simm.s32 $0x200;
	s0 =	simm.s32 $0x80;
	[sflag:s24] =	ssyncset.done $0x0  }
0x7c: {  	s19 =	sadd.s32 $0x0, s15;
	s1 =	simm.s32 $0x600;
	[sflag:s24] =	ssyncadd.s32 $0xFFFFE000  }
.LBB2_26:
0x7d: {  	[hbm4b:s19+s2] =	stream.linear.scatter [tilespmem:s31], [sflag:$0x9], $0x80, $0x38;
	[tilespmem:$0x10000] =	vst v63  }
0x7e: {  	s19 =	smov.u32 s0;
	s31 =	smov.u32 s1;
	p0 =	sne.s32 s0, $0x1F80  }
.Ltmp12:
0x7f: {  	s0 =	sadd.s32 $0x80, s0;
	(pc) =	sbr.rel @p0 .LBB2_26-.Ltmp12, $2  }
0x80: {  	_ =	sdelay $0x2  }
0x81: {  	s1 =	sadd.s32 $0x400, s1;
	s19 =	sadd.s32 s19, s15  }
0x82: {  	[hbm4b:s19+s2] =	stream.linear.scatter [tilespmem:s31], [sflag:$0x9], $0x80, $0x38;
	[tilespmem:$0x10000] =	vst v63  }
0x83: {  	_ =	swait.ge [sflag:s25], $0x2000  }
0x84: {  	s31 =	simm.s32 $0x280;
	s0 =	simm.s32 $0x80;
	[sflag:s25] =	ssyncset.done $0x0  }
0x85: {  	s19 =	sadd.s32 $0x0, s16;
	s1 =	simm.s32 $0x680;
	[sflag:s25] =	ssyncadd.s32 $0xFFFFE000  }
.LBB2_28:
0x86: {  	[hbm4b:s19+s2] =	stream.linear.scatter [tilespmem:s31], [sflag:$0x9], $0x80, $0x38;
	[tilespmem:$0x10000] =	vst v63  }
0x87: {  	s19 =	smov.u32 s0;
	s31 =	smov.u32 s1;
	p0 =	sne.s32 s0, $0x1F80  }
.Ltmp13:
0x88: {  	s0 =	sadd.s32 $0x80, s0;
	(pc) =	sbr.rel @p0 .LBB2_28-.Ltmp13, $2  }
0x89: {  	_ =	sdelay $0x2  }
0x8a: {  	s1 =	sadd.s32 $0x400, s1;
	s19 =	sadd.s32 s19, s16  }
0x8b: {  	[hbm4b:s19+s2] =	stream.linear.scatter [tilespmem:s31], [sflag:$0x9], $0x80, $0x38;
	[tilespmem:$0x10000] =	vst v63  }
0x8c: {  	_ =	swait.ge [sflag:s26], $0x2000  }
0x8d: {  	s31 =	simm.s32 $0x300;
	s0 =	simm.s32 $0x80;
	[sflag:s26] =	ssyncset.done $0x0  }
0x8e: {  	s19 =	sadd.s32 $0x0, s17;
	s1 =	simm.s32 $0x700;
	[sflag:s26] =	ssyncadd.s32 $0xFFFFE000  }
.LBB2_30:
0x8f: {  	[hbm4b:s19+s2] =	stream.linear.scatter [tilespmem:s31], [sflag:$0x9], $0x80, $0x38;
	[tilespmem:$0x10000] =	vst v63  }
0x90: {  	s19 =	smov.u32 s0;
	s31 =	smov.u32 s1;
	p0 =	sne.s32 s0, $0x1F80  }
.Ltmp14:
0x91: {  	s0 =	sadd.s32 $0x80, s0;
	(pc) =	sbr.rel @p0 .LBB2_30-.Ltmp14, $2  }
0x92: {  	_ =	sdelay $0x2  }
0x93: {  	s1 =	sadd.s32 $0x400, s1;
	s19 =	sadd.s32 s19, s17  }
0x94: {  	[hbm4b:s19+s2] =	stream.linear.scatter [tilespmem:s31], [sflag:$0x9], $0x80, $0x38;
	[tilespmem:$0x10000] =	vst v63  }
0x95: {  	_ =	swait.ge [sflag:s28], $0x2000  }
0x96: {  	s31 =	simm.s32 $0x380;
	s0 =	simm.s32 $0x80;
	[sflag:s28] =	ssyncset.done $0x0  }
0x97: {  	s19 =	sadd.s32 $0x0, s18;
	s1 =	simm.s32 $0x780;
	[sflag:s28] =	ssyncadd.s32 $0xFFFFE000  }
.LBB2_32:
0x98: {  	[hbm4b:s19+s2] =	stream.linear.scatter [tilespmem:s31], [sflag:$0x9], $0x80, $0x38;
	[tilespmem:$0x10000] =	vst v63  }
0x99: {  	s19 =	smov.u32 s0;
	s31 =	smov.u32 s1;
	p0 =	sne.s32 s0, $0x1F80  }
.Ltmp15:
0x9a: {  	s0 =	sadd.s32 $0x80, s0;
	(pc) =	sbr.rel @p0 .LBB2_32-.Ltmp15, $2  }
0x9b: {  	_ =	sdelay $0x2  }
0x9c: {  	s1 =	sadd.s32 $0x400, s1;
	s19 =	sadd.s32 s19, s18  }
0x9d: {  	[hbm4b:s19+s2] =	stream.linear.scatter [tilespmem:s31], [sflag:$0x9], $0x80, $0x38;
	[tilespmem:$0x10000] =	vst v63  }
0x9e: {  	_ =	swait.ge [sflag:s29], $0x2000  }
0x9f: {  	[sflag:s29] =	ssyncset.done $0x0  }
0xa0: {  	[sflag:s29] =	ssyncadd.s32 $0xFFFFE000  }
0xa1: {  	_ =	swait.ge [sflag:s29], $0x2000  }
0xa2: {  	[sflag:s29] =	ssyncset.done $0x0  }
0xa3: {  	[sflag:s29] =	ssyncadd.s32 $0xFFFFE000  }
0xa4: {  	_ =	swait.ge [sflag:s29], $0x2000  }
0xa5: {  	[sflag:s29] =	ssyncset.done $0x0  }
0xa6: {  	[sflag:s29] =	ssyncadd.s32 $0xFFFFE000  }
0xa7: {  	_ =	swait.ge [sflag:s29], $0x2000  }
0xa8: {  	[sflag:s29] =	ssyncset.done $0x0  }
0xa9: {  	[sflag:s29] =	ssyncadd.s32 $0xFFFFE000  }
0xaa: {  	_ =	swait.ge [sflag:s29], $0x2000  }
0xab: {  	[sflag:s29] =	ssyncset.done $0x0  }
0xac: {  	[sflag:s29] =	ssyncadd.s32 $0xFFFFE000  }
0xad: {  	_ =	swait.ge [sflag:s29], $0x2000  }
0xae: {  	[sflag:s29] =	ssyncset.done $0x0  }
0xaf: {  	[sflag:s29] =	ssyncadd.s32 $0xFFFFE000  }
0xb0: {  	_ =	swait.ge [sflag:s29], $0x2000  }
0xb1: {  	[sflag:s29] =	ssyncset.done $0x0  }
0xb2: {  	[sflag:s29] =	ssyncadd.s32 $0xFFFFE000  }
0xb3: {  	_ =	swait.ge [sflag:s29], $0x2000  }
0xb4: {  	s30 =	sadd.s32 $0x1, s30;
	s0 =	rddreg [dreg:$0x3]  }
0xb5: {  	p0 =	sne.s32 s30, s0  }
.Ltmp16:
0xb6: {  	_ = 	snop;
	(pc) =	sbr.rel @p0 .LBB2_1-.Ltmp16, $3  }
0xb7: {  	_ =	sdelay $0x1  }
0xb8: {  	[sflag:s29] =	ssyncset.done $0x0  }
0xb9: {  	[sflag:s29] =	ssyncadd.s32 $0xFFFFE000  }
0xba: {  	_ =	sfence.sel $0x180000  }
0xbb: {  	[bflag:$0x0] =	sbarrier.arrive $0xFFFF  }
0xbc: {  	_ =	strace $0x90000047  }
0xbd: {  	s0 =	stileid.u32;
	[bflag:$0x2] =	sbarrier.arrive $0xFFFF  }
0xbe: {  	p0 =	sne.s32 s0, $0x0;
	s0 =	rddreg [dreg:$0x2]  }
0xbf: {  	s0 =	sadd.s32 @!p0 $0x100000, s0  }
0xc0: {  	[sflag:s0] =	ssyncadd.tile.s32 @!p0 $0x1;
	_ =	shalt  }
.Lfunc_end2:
_tile_overlayer_lowered:
.L_overlay_start_2:
0xc1: {  	(tag) =	ssettag $0x2  }
0xc2: {  	s0 =	rddreg [dreg:$0x0];
	s2 =	stileid.u32  }
0xc3: {  	s1 =	rddreg [dreg:$0x1];
	p0 =	sne.s32 s2, $0x0  }
0xc4: {  	s3 =	rddreg [dreg:$0x2];
	[bflag:$0x3] =	sbarrier.arrive $0xFFFF;
	s2 =	simm.s32 @!p0 $0x1C0A  }
0xc5: {  	[timem:s3], [sflag:s2] =	dma.local @!p0 [hbm:s0], s1  }
0xc6: {  	s0 =	simm.s32 @!p0 $0xA  }
0xc7: {  	_ =	swait.ge @!p0 [sflag:s0], s1  }
0xc8: {  	s1 =	ssub.s32 @!p0 $0x0, s1;
	[sflag:s0] =	ssyncset.done @!p0 $0x0  }
0xc9: {  	[sflag:s0] =	ssyncadd.s32 @!p0 s1  }
0xca: {  	[bflag:$0x3] =	sbarrier.arrive $0xFFFF  }
0xcb: {  	_ =	shalt  }

</sc_bundles>
